<compile_context>
chip_gen: v7x
topology: tpu7x:2x2x1
jax: 0.10.2.dev20260603
libtpu: 0.0.44.dev20260713+nightly
codegen_flags: <defaults>
</compile_context>

<pallas_src>
import functools

import jax
import jax.numpy as jnp
from jax import lax
from jax.experimental import pallas as pl
from jax.experimental.pallas import tpu as pltpu
from jax.experimental.pallas import tpu_sc as plsc

A = 2000
V = 50
D = 128
B = 4096
NJ = V - 1
NBUF = 6


def kernel(batch_attributes, batch_values, proto_bank):
    table = proto_bank.transpose(1, 0, 2).reshape(V * A, D)

    info = plsc.get_sparse_core_info()
    NC, NS, L = info.num_cores, info.num_subcores, info.num_lanes
    NW = NC * NS
    S = B // NW

    mesh = plsc.VectorSubcoreMesh(core_axis_name="c", subcore_axis_name="s")

    @functools.partial(
        pl.kernel,
        mesh=mesh,
        out_type=(
            jax.ShapeDtypeStruct((B, D), jnp.float32),
            jax.ShapeDtypeStruct((NJ * B, D), jnp.float32),
        ),
        scratch_types=[
            pltpu.VMEM((S,), jnp.int32),
            pltpu.VMEM((S,), jnp.int32),
            pltpu.VMEM((S,), jnp.int32),
            pltpu.VMEM((NJ, S), jnp.int32),
            pltpu.VMEM((S, D), jnp.float32),
            pltpu.VMEM((NBUF, S, D), jnp.float32),
            pltpu.SemaphoreType.DMA,
            pltpu.SemaphoreType.DMA,
            pltpu.SemaphoreType.DMA,
            pltpu.SemaphoreType.DMA,
            pltpu.SemaphoreType.DMA,
            pltpu.SemaphoreType.DMA,
            pltpu.SemaphoreType.DMA,
            pltpu.SemaphoreType.DMA,
            pltpu.SemaphoreType.DMA,
            pltpu.SemaphoreType.DMA,
            pltpu.SemaphoreType.DMA,
            pltpu.SemaphoreType.DMA,
            pltpu.SemaphoreType.DMA,
        ],
    )
    def sc_kernel(attr_hbm, val_hbm, table_hbm, pos_hbm, neg_hbm,
                  attr_v, val_v, pidx_v, nidx_v, posbuf, ring,
                  psem, g0s, g1s, g2s, g3s, g4s, g5s,
                  d0s, d1s, d2s, d3s, d4s, d5s):
        gsems = (g0s, g1s, g2s, g3s, g4s, g5s)
        dsems = (d0s, d1s, d2s, d3s, d4s, d5s)
        wid = lax.axis_index("s") * NC + lax.axis_index("c")
        base = wid * S
        pltpu.sync_copy(attr_hbm.at[pl.ds(base, S)], attr_v)
        pltpu.sync_copy(val_hbm.at[pl.ds(base, S)], val_v)

        def compute_planes(lo, hi):
            def jloop(j, carry):
                for c in range(S // L):
                    s0 = c * L
                    a = attr_v[pl.ds(s0, L)]
                    v = val_v[pl.ds(s0, L)]
                    nidx_v[j, pl.ds(s0, L)] = (
                        j * A + a + jnp.where(v <= j, A, 0))
                return carry

            lax.fori_loop(lo, hi, jloop, 0)

        def gather(j, b):
            pltpu.async_copy(table_hbm.at[nidx_v.at[j]], ring.at[b], gsems[b])

        def wait_gather(j, b):
            pltpu.make_async_copy(
                table_hbm.at[nidx_v.at[j]], ring.at[b], gsems[b]).wait()

        def drain(j, b):
            pltpu.async_copy(
                ring.at[b], neg_hbm.at[pl.ds(j * B + base, S)], dsems[b])

        def wait_drain(j, b):
            pltpu.make_async_copy(
                ring.at[b], neg_hbm.at[pl.ds(j * B + base, S)],
                dsems[b]).wait()

        compute_planes(0, NBUF - 2)
        for b in range(NBUF - 2):
            gather(b, b)

        for c in range(S // L):
            s0 = c * L
            a = attr_v[pl.ds(s0, L)]
            v = val_v[pl.ds(s0, L)]
            pidx_v[pl.ds(s0, L)] = v * A + a
        pos_copy = pltpu.async_copy(table_hbm.at[pidx_v], posbuf, psem)
        compute_planes(NBUF - 2, NJ)

        def step(r, carry):
            for k in range(NBUF):
                b = k
                j = NBUF * r + k
                bn = (k + NBUF - 2) % NBUF
                wait_gather(j, b)
                drain(j, b)
                if k <= 1:
                    @pl.when(r >= 1)
                    def _():
                        wait_drain(j - 2, bn)

                    gather(j + NBUF - 2, bn)
                else:
                    wait_drain(j - 2, bn)

                    @pl.when(j + NBUF - 2 < NJ)
                    def _():
                        gather(j + NBUF - 2, bn)
            return carry

        lax.fori_loop(0, NJ // NBUF, step, 0)

        wait_drain(NJ - 3, (NJ - 3) % NBUF)
        wait_drain(NJ - 2, (NJ - 2) % NBUF)
        wait_gather(NJ - 1, (NJ - 1) % NBUF)
        drain(NJ - 1, (NJ - 1) % NBUF)
        pos_copy.wait()
        pltpu.sync_copy(posbuf, pos_hbm.at[pl.ds(base, S)])
        wait_drain(NJ - 1, (NJ - 1) % NBUF)

    pos, neg = sc_kernel(batch_attributes, batch_values, table)
    return pos, neg.reshape(NJ, B, D).transpose(1, 0, 2)

# --- scband reference (transcript-rebuilt; emitter-appended) ---
"""Pipeline reference for scband-memory-bank-78632261255710 (READ-ONLY COPY).

The authoritative reference and input builder live on the scoring server;
editing this copy changes nothing except your own understanding.
"""

import jax, jax.numpy as jnp
import numpy as np

NUM_ATTRS = 2000
NUM_VALUES = 50
EMBED_DIM = 128
BATCH = 4096


def setup_inputs(seed: int = 0) -> dict:
    key = jax.random.key(seed)
    k1, k2, k3 = jax.random.split(key, 3)
    batch_attributes = jax.random.randint(k1, (BATCH,), 0, NUM_ATTRS, dtype=jnp.int32)
    batch_values = jax.random.randint(k2, (BATCH,), 0, NUM_VALUES, dtype=jnp.int32)
    # Dense materialization of the prototype bank: prototype_bank[attr][value] -> proto_bank[attr, value, :]
    proto_bank = jax.random.normal(k3, (NUM_ATTRS, NUM_VALUES, EMBED_DIM), dtype=jnp.float32)
    return {
        "batch_attributes": batch_attributes,
        "batch_values": batch_values,
        "proto_bank": proto_bank,
    }


def reference(batch_attributes, batch_values, proto_bank):
    """Training-stage forward: for each sample (attr a, value v) return
    the positive prototype proto_bank[a, v] and the negative prototypes
    proto_bank[a, v'] for all v' != v under the same attribute.
    positive: [B, d]; negative: [B, V-1, d]
    """
    # positive prototype feature: gather at (attr, value)
    pos = proto_bank[batch_attributes, batch_values]  # [B, d]
    # gather all prototypes for each sample's attribute
    attr_protos = proto_bank[batch_attributes]  # [B, V, d]
    # negative indices: all value ids except the sample's own value
    ids = jnp.arange(NUM_VALUES - 1, dtype=jnp.int32)[None, :]  # [1, V-1]
    neg_ids = ids + (ids >= batch_values[:, None]).astype(jnp.int32)  # [B, V-1]
    neg = jnp.take_along_axis(attr_protos, neg_ids[:, :, None], axis=1)  # [B, V-1, d]
    return pos, neg

if __name__ == "__main__":
    import jax
    _d = setup_inputs()
    print(jax.jit(kernel)(*tuple(_d.values())))

</pallas_src>

<mosaic_0001>
#map = affine_map<(d0, d1) -> (0)>
#map1 = affine_map<(d0, d1) -> (0, 0)>
module attributes {stable_mosaic.version = 14 : i64} {
  func.func @sc_kernel(%arg0: i32, %arg1: i32, %arg2: memref<4096xi32, #tpu.memory_space<hbm>>, %arg3: memref<4096xi32, #tpu.memory_space<hbm>>, %arg4: memref<100000x128xf32, #tpu.memory_space<hbm>>, %arg5: memref<4096x128xf32, #tpu.memory_space<hbm>>, %arg6: memref<200704x128xf32, #tpu.memory_space<hbm>>, %arg7: memref<128xi32, #tpu.memory_space<vmem>>, %arg8: memref<128xi32, #tpu.memory_space<vmem>>, %arg9: memref<128xi32, #tpu.memory_space<vmem>>, %arg10: memref<49x128xi32, #tpu.memory_space<vmem>>, %arg11: memref<128x128xf32, #tpu.memory_space<vmem>>, %arg12: memref<6x128x128xf32, #tpu.memory_space<vmem>>, %arg13: memref<!tpu.dma_semaphore, #tpu.memory_space<semaphore_mem>>, %arg14: memref<!tpu.dma_semaphore, #tpu.memory_space<semaphore_mem>>, %arg15: memref<!tpu.dma_semaphore, #tpu.memory_space<semaphore_mem>>, %arg16: memref<!tpu.dma_semaphore, #tpu.memory_space<semaphore_mem>>, %arg17: memref<!tpu.dma_semaphore, #tpu.memory_space<semaphore_mem>>, %arg18: memref<!tpu.dma_semaphore, #tpu.memory_space<semaphore_mem>>, %arg19: memref<!tpu.dma_semaphore, #tpu.memory_space<semaphore_mem>>, %arg20: memref<!tpu.dma_semaphore, #tpu.memory_space<semaphore_mem>>, %arg21: memref<!tpu.dma_semaphore, #tpu.memory_space<semaphore_mem>>, %arg22: memref<!tpu.dma_semaphore, #tpu.memory_space<semaphore_mem>>, %arg23: memref<!tpu.dma_semaphore, #tpu.memory_space<semaphore_mem>>, %arg24: memref<!tpu.dma_semaphore, #tpu.memory_space<semaphore_mem>>, %arg25: memref<!tpu.dma_semaphore, #tpu.memory_space<semaphore_mem>>) attributes {dimension_semantics = [#tpu.dimension_semantics<core_parallel>, #tpu.dimension_semantics<subcore_parallel>], iteration_bounds = array<i64: 2, 16>, scalar_prefetch = 0 : i64, scratch_operands = 19 : i64, tpu.core_type = #tpu.core_type<sc_vector_subcore>, window_params = [{transform_indices = #map}, {transform_indices = #map}, {transform_indices = #map1}, {transform_indices = #map1}, {transform_indices = #map1}]} {
    %mul3A = arith.constant 2 : i32
    %mul3A_0 = arith.muli %arg1, %mul3A : i32
    %add3A = arith.addi %mul3A_0, %arg0 : i32
    %mul3A_1 = arith.constant 128 : i32
    %mul3A_2 = arith.muli %add3A, %mul3A_1 : i32
    "tpu.region"() ({
      %run_scoped3A = tpu.sem_alloc : memref<!tpu.dma_semaphore, #tpu.memory_space<semaphore_mem>>
      %dma_start3A_254 = tpu.memref_slice %arg2[%mul3A_2] : memref<4096xi32, #tpu.memory_space<hbm>> -> memref<128xi32, #tpu.memory_space<hbm>>
      %dma_start3A_255 = tpu.memref_slice %arg2[%mul3A_2] : memref<4096xi32, #tpu.memory_space<hbm>> -> memref<128xi32, #tpu.memory_space<hbm>>
      tpu.enqueue_dma source(%dma_start3A_255 : memref<128xi32, #tpu.memory_space<hbm>>) target(%arg7 : memref<128xi32, #tpu.memory_space<vmem>>) target_semaphore(%run_scoped3A : memref<!tpu.dma_semaphore, #tpu.memory_space<semaphore_mem>>)
      %dma_wait3A_256 = tpu.memref_slice %arg2[%mul3A_2] : memref<4096xi32, #tpu.memory_space<hbm>> -> memref<128xi32, #tpu.memory_space<hbm>>
      %dma_wait3A_257 = tpu.memref_slice %arg2[%mul3A_2] : memref<4096xi32, #tpu.memory_space<hbm>> -> memref<128xi32, #tpu.memory_space<hbm>>
      tpu.wait_dma2 semaphore(%run_scoped3A : memref<!tpu.dma_semaphore, #tpu.memory_space<semaphore_mem>>) src(%dma_wait3A_257 : memref<128xi32, #tpu.memory_space<hbm>>) dst(%arg7 : memref<128xi32, #tpu.memory_space<vmem>>)
      tpu.yield
    }) : () -> ()
    "tpu.region"() ({
      %run_scoped3A = tpu.sem_alloc : memref<!tpu.dma_semaphore, #tpu.memory_space<semaphore_mem>>
      %dma_start3A_254 = tpu.memref_slice %arg3[%mul3A_2] : memref<4096xi32, #tpu.memory_space<hbm>> -> memref<128xi32, #tpu.memory_space<hbm>>
      %dma_start3A_255 = tpu.memref_slice %arg3[%mul3A_2] : memref<4096xi32, #tpu.memory_space<hbm>> -> memref<128xi32, #tpu.memory_space<hbm>>
      tpu.enqueue_dma source(%dma_start3A_255 : memref<128xi32, #tpu.memory_space<hbm>>) target(%arg8 : memref<128xi32, #tpu.memory_space<vmem>>) target_semaphore(%run_scoped3A : memref<!tpu.dma_semaphore, #tpu.memory_space<semaphore_mem>>)
      %dma_wait3A_256 = tpu.memref_slice %arg3[%mul3A_2] : memref<4096xi32, #tpu.memory_space<hbm>> -> memref<128xi32, #tpu.memory_space<hbm>>
      %dma_wait3A_257 = tpu.memref_slice %arg3[%mul3A_2] : memref<4096xi32, #tpu.memory_space<hbm>> -> memref<128xi32, #tpu.memory_space<hbm>>
      tpu.wait_dma2 semaphore(%run_scoped3A : memref<!tpu.dma_semaphore, #tpu.memory_space<semaphore_mem>>) src(%dma_wait3A_257 : memref<128xi32, #tpu.memory_space<hbm>>) dst(%arg8 : memref<128xi32, #tpu.memory_space<vmem>>)
      tpu.yield
    }) : () -> ()
    %scan3A = arith.constant 0 : i32
    %scan3A_3 = arith.constant 0 : i32
    %scan3A_4 = arith.constant 4 : i32
    %scan3A_5 = arith.addi %scan3A_3, %scan3A_4 : i32
    %scan3A_6 = arith.constant 1 : i32
    scf.for %scan3A_254 = %scan3A_3 to %scan3A_5 step %scan3A_6  : i32 {
      %get3A_255 = arith.constant 0 : index
      %get3A_256 = tpu.vector_load %arg7[%get3A_255] {strides = array<i32>} : memref<128xi32, #tpu.memory_space<vmem>>, vector<16xi32>,
      %get3A_257 = vector.shape_cast %get3A_256 : vector<16xi32> to vector<16xi32>
      %get3A_258 = arith.constant 0 : index
      %get3A_259 = tpu.vector_load %arg8[%get3A_258] {strides = array<i32>} : memref<128xi32, #tpu.memory_space<vmem>>, vector<16xi32>,
      %get3A_260 = vector.shape_cast %get3A_259 : vector<16xi32> to vector<16xi32>
      %mul3A_261 = arith.constant 2000 : i32
      %mul3A_262 = arith.muli %scan3A_254, %mul3A_261 : i32
      %add3A_263 = vector.broadcast %mul3A_262 : i32 to vector<16xi32>
      %add3A_264 = arith.addi %add3A_263, %get3A_257 : vector<16xi32>
      %le3A = vector.broadcast %scan3A_254 : i32 to vector<16xi32>
      %le3A_265 = arith.cmpi sle, %get3A_260, %le3A : vector<16xi32>
      %jit3A = arith.constant 2000 : i32
      %jit3A_266 = arith.constant 0 : i32
      %broadcast_in_dim3A = vector.broadcast %jit3A : i32 to vector<16xi32>
      %broadcast_in_dim3A_267 = vector.broadcast %jit3A_266 : i32 to vector<16xi32>
      %select_n3A = arith.select %le3A_265, %broadcast_in_dim3A, %broadcast_in_dim3A_267 : vector<16xi1>, vector<16xi32>
      %add3A_268 = arith.addi %add3A_264, %select_n3A : vector<16xi32>
      %swap3A_269 = arith.index_cast %scan3A_254 : i32 to index
      %swap3A_270 = arith.constant 0 : index
      %swap3A_271 = tpu.vector_load %arg10[%swap3A_269, %swap3A_270] {strides = array<i32>} : memref<49x128xi32, #tpu.memory_space<vmem>>, vector<1x16xi32>,
      %swap3A_272 = vector.shape_cast %swap3A_271 : vector<1x16xi32> to vector<16xi32>
      %swap3A_273 = vector.shape_cast %add3A_268 : vector<16xi32> to vector<1x16xi32>
      tpu.vector_store %arg10[%swap3A_269, %swap3A_270], %swap3A_273 {strides = array<i32>} : memref<49x128xi32, #tpu.memory_space<vmem>>, vector<1x16xi32>,
      %get3A_274 = arith.constant 16 : index
      %get3A_275 = tpu.vector_load %arg7[%get3A_274] {strides = array<i32>} : memref<128xi32, #tpu.memory_space<vmem>>, vector<16xi32>,
      %get3A_276 = vector.shape_cast %get3A_275 : vector<16xi32> to vector<16xi32>
      %get3A_277 = arith.constant 16 : index
      %get3A_278 = tpu.vector_load %arg8[%get3A_277] {strides = array<i32>} : memref<128xi32, #tpu.memory_space<vmem>>, vector<16xi32>,
      %get3A_279 = vector.shape_cast %get3A_278 : vector<16xi32> to vector<16xi32>
      %mul3A_280 = arith.constant 2000 : i32
      %mul3A_281 = arith.muli %scan3A_254, %mul3A_280 : i32
      %add3A_282 = vector.broadcast %mul3A_281 : i32 to vector<16xi32>
      %add3A_283 = arith.addi %add3A_282, %get3A_276 : vector<16xi32>
      %le3A_284 = vector.broadcast %scan3A_254 : i32 to vector<16xi32>
      %le3A_285 = arith.cmpi sle, %get3A_279, %le3A_284 : vector<16xi32>
      %jit3A_286 = arith.constant 2000 : i32
      %jit3A_287 = arith.constant 0 : i32
      %broadcast_in_dim3A_288 = vector.broadcast %jit3A_286 : i32 to vector<16xi32>
      %broadcast_in_dim3A_289 = vector.broadcast %jit3A_287 : i32 to vector<16xi32>
      %select_n3A_290 = arith.select %le3A_285, %broadcast_in_dim3A_288, %broadcast_in_dim3A_289 : vector<16xi1>, vector<16xi32>
      %add3A_291 = arith.addi %add3A_283, %select_n3A_290 : vector<16xi32>
      %swap3A_292 = arith.index_cast %scan3A_254 : i32 to index
      %swap3A_293 = arith.constant 16 : index
      %swap3A_294 = tpu.vector_load %arg10[%swap3A_292, %swap3A_293] {strides = array<i32>} : memref<49x128xi32, #tpu.memory_space<vmem>>, vector<1x16xi32>,
      %swap3A_295 = vector.shape_cast %swap3A_294 : vector<1x16xi32> to vector<16xi32>
      %swap3A_296 = vector.shape_cast %add3A_291 : vector<16xi32> to vector<1x16xi32>
      tpu.vector_store %arg10[%swap3A_292, %swap3A_293], %swap3A_296 {strides = array<i32>} : memref<49x128xi32, #tpu.memory_space<vmem>>, vector<1x16xi32>,
      %get3A_297 = arith.constant 32 : index
      %get3A_298 = tpu.vector_load %arg7[%get3A_297] {strides = array<i32>} : memref<128xi32, #tpu.memory_space<vmem>>, vector<16xi32>,
      %get3A_299 = vector.shape_cast %get3A_298 : vector<16xi32> to vector<16xi32>
      %get3A_300 = arith.constant 32 : index
      %get3A_301 = tpu.vector_load %arg8[%get3A_300] {strides = array<i32>} : memref<128xi32, #tpu.memory_space<vmem>>, vector<16xi32>,
      %get3A_302 = vector.shape_cast %get3A_301 : vector<16xi32> to vector<16xi32>
      %mul3A_303 = arith.constant 2000 : i32
      %mul3A_304 = arith.muli %scan3A_254, %mul3A_303 : i32
      %add3A_305 = vector.broadcast %mul3A_304 : i32 to vector<16xi32>
      %add3A_306 = arith.addi %add3A_305, %get3A_299 : vector<16xi32>
      %le3A_307 = vector.broadcast %scan3A_254 : i32 to vector<16xi32>
      %le3A_308 = arith.cmpi sle, %get3A_302, %le3A_307 : vector<16xi32>
      %jit3A_309 = arith.constant 2000 : i32
      %jit3A_310 = arith.constant 0 : i32
      %broadcast_in_dim3A_311 = vector.broadcast %jit3A_309 : i32 to vector<16xi32>
      %broadcast_in_dim3A_312 = vector.broadcast %jit3A_310 : i32 to vector<16xi32>
      %select_n3A_313 = arith.select %le3A_308, %broadcast_in_dim3A_311, %broadcast_in_dim3A_312 : vector<16xi1>, vector<16xi32>
      %add3A_314 = arith.addi %add3A_306, %select_n3A_313 : vector<16xi32>
      %swap3A_315 = arith.index_cast %scan3A_254 : i32 to index
      %swap3A_316 = arith.constant 32 : index
      %swap3A_317 = tpu.vector_load %arg10[%swap3A_315, %swap3A_316] {strides = array<i32>} : memref<49x128xi32, #tpu.memory_space<vmem>>, vector<1x16xi32>,
      %swap3A_318 = vector.shape_cast %swap3A_317 : vector<1x16xi32> to vector<16xi32>
      %swap3A_319 = vector.shape_cast %add3A_314 : vector<16xi32> to vector<1x16xi32>
      tpu.vector_store %arg10[%swap3A_315, %swap3A_316], %swap3A_319 {strides = array<i32>} : memref<49x128xi32, #tpu.memory_space<vmem>>, vector<1x16xi32>,
      %get3A_320 = arith.constant 48 : index
      %get3A_321 = tpu.vector_load %arg7[%get3A_320] {strides = array<i32>} : memref<128xi32, #tpu.memory_space<vmem>>, vector<16xi32>,
      %get3A_322 = vector.shape_cast %get3A_321 : vector<16xi32> to vector<16xi32>
      %get3A_323 = arith.constant 48 : index
      %get3A_324 = tpu.vector_load %arg8[%get3A_323] {strides = array<i32>} : memref<128xi32, #tpu.memory_space<vmem>>, vector<16xi32>,
      %get3A_325 = vector.shape_cast %get3A_324 : vector<16xi32> to vector<16xi32>
      %mul3A_326 = arith.constant 2000 : i32
      %mul3A_327 = arith.muli %scan3A_254, %mul3A_326 : i32
      %add3A_328 = vector.broadcast %mul3A_327 : i32 to vector<16xi32>
      %add3A_329 = arith.addi %add3A_328, %get3A_322 : vector<16xi32>
      %le3A_330 = vector.broadcast %scan3A_254 : i32 to vector<16xi32>
      %le3A_331 = arith.cmpi sle, %get3A_325, %le3A_330 : vector<16xi32>
      %jit3A_332 = arith.constant 2000 : i32
      %jit3A_333 = arith.constant 0 : i32
      %broadcast_in_dim3A_334 = vector.broadcast %jit3A_332 : i32 to vector<16xi32>
      %broadcast_in_dim3A_335 = vector.broadcast %jit3A_333 : i32 to vector<16xi32>
      %select_n3A_336 = arith.select %le3A_331, %broadcast_in_dim3A_334, %broadcast_in_dim3A_335 : vector<16xi1>, vector<16xi32>
      %add3A_337 = arith.addi %add3A_329, %select_n3A_336 : vector<16xi32>
      %swap3A_338 = arith.index_cast %scan3A_254 : i32 to index
      %swap3A_339 = arith.constant 48 : index
      %swap3A_340 = tpu.vector_load %arg10[%swap3A_338, %swap3A_339] {strides = array<i32>} : memref<49x128xi32, #tpu.memory_space<vmem>>, vector<1x16xi32>,
      %swap3A_341 = vector.shape_cast %swap3A_340 : vector<1x16xi32> to vector<16xi32>
      %swap3A_342 = vector.shape_cast %add3A_337 : vector<16xi32> to vector<1x16xi32>
      tpu.vector_store %arg10[%swap3A_338, %swap3A_339], %swap3A_342 {strides = array<i32>} : memref<49x128xi32, #tpu.memory_space<vmem>>, vector<1x16xi32>,
      %get3A_343 = arith.constant 64 : index
      %get3A_344 = tpu.vector_load %arg7[%get3A_343] {strides = array<i32>} : memref<128xi32, #tpu.memory_space<vmem>>, vector<16xi32>,
      %get3A_345 = vector.shape_cast %get3A_344 : vector<16xi32> to vector<16xi32>
      %get3A_346 = arith.constant 64 : index
      %get3A_347 = tpu.vector_load %arg8[%get3A_346] {strides = array<i32>} : memref<128xi32, #tpu.memory_space<vmem>>, vector<16xi32>,
      %get3A_348 = vector.shape_cast %get3A_347 : vector<16xi32> to vector<16xi32>
      %mul3A_349 = arith.constant 2000 : i32
      %mul3A_350 = arith.muli %scan3A_254, %mul3A_349 : i32
      %add3A_351 = vector.broadcast %mul3A_350 : i32 to vector<16xi32>
      %add3A_352 = arith.addi %add3A_351, %get3A_345 : vector<16xi32>
      %le3A_353 = vector.broadcast %scan3A_254 : i32 to vector<16xi32>
      %le3A_354 = arith.cmpi sle, %get3A_348, %le3A_353 : vector<16xi32>
      %jit3A_355 = arith.constant 2000 : i32
      %jit3A_356 = arith.constant 0 : i32
      %broadcast_in_dim3A_357 = vector.broadcast %jit3A_355 : i32 to vector<16xi32>
      %broadcast_in_dim3A_358 = vector.broadcast %jit3A_356 : i32 to vector<16xi32>
      %select_n3A_359 = arith.select %le3A_354, %broadcast_in_dim3A_357, %broadcast_in_dim3A_358 : vector<16xi1>, vector<16xi32>
      %add3A_360 = arith.addi %add3A_352, %select_n3A_359 : vector<16xi32>
      %swap3A_361 = arith.index_cast %scan3A_254 : i32 to index
      %swap3A_362 = arith.constant 64 : index
      %swap3A_363 = tpu.vector_load %arg10[%swap3A_361, %swap3A_362] {strides = array<i32>} : memref<49x128xi32, #tpu.memory_space<vmem>>, vector<1x16xi32>,
      %swap3A_364 = vector.shape_cast %swap3A_363 : vector<1x16xi32> to vector<16xi32>
      %swap3A_365 = vector.shape_cast %add3A_360 : vector<16xi32> to vector<1x16xi32>
      tpu.vector_store %arg10[%swap3A_361, %swap3A_362], %swap3A_365 {strides = array<i32>} : memref<49x128xi32, #tpu.memory_space<vmem>>, vector<1x16xi32>,
      %get3A_366 = arith.constant 80 : index
      %get3A_367 = tpu.vector_load %arg7[%get3A_366] {strides = array<i32>} : memref<128xi32, #tpu.memory_space<vmem>>, vector<16xi32>,
      %get3A_368 = vector.shape_cast %get3A_367 : vector<16xi32> to vector<16xi32>
      %get3A_369 = arith.constant 80 : index
      %get3A_370 = tpu.vector_load %arg8[%get3A_369] {strides = array<i32>} : memref<128xi32, #tpu.memory_space<vmem>>, vector<16xi32>,
      %get3A_371 = vector.shape_cast %get3A_370 : vector<16xi32> to vector<16xi32>
      %mul3A_372 = arith.constant 2000 : i32
      %mul3A_373 = arith.muli %scan3A_254, %mul3A_372 : i32
      %add3A_374 = vector.broadcast %mul3A_373 : i32 to vector<16xi32>
      %add3A_375 = arith.addi %add3A_374, %get3A_368 : vector<16xi32>
      %le3A_376 = vector.broadcast %scan3A_254 : i32 to vector<16xi32>
      %le3A_377 = arith.cmpi sle, %get3A_371, %le3A_376 : vector<16xi32>
      %jit3A_378 = arith.constant 2000 : i32
      %jit3A_379 = arith.constant 0 : i32
      %broadcast_in_dim3A_380 = vector.broadcast %jit3A_378 : i32 to vector<16xi32>
      %broadcast_in_dim3A_381 = vector.broadcast %jit3A_379 : i32 to vector<16xi32>
      %select_n3A_382 = arith.select %le3A_377, %broadcast_in_dim3A_380, %broadcast_in_dim3A_381 : vector<16xi1>, vector<16xi32>
      %add3A_383 = arith.addi %add3A_375, %select_n3A_382 : vector<16xi32>
      %swap3A_384 = arith.index_cast %scan3A_254 : i32 to index
      %swap3A_385 = arith.constant 80 : index
      %swap3A_386 = tpu.vector_load %arg10[%swap3A_384, %swap3A_385] {strides = array<i32>} : memref<49x128xi32, #tpu.memory_space<vmem>>, vector<1x16xi32>,
      %swap3A_387 = vector.shape_cast %swap3A_386 : vector<1x16xi32> to vector<16xi32>
      %swap3A_388 = vector.shape_cast %add3A_383 : vector<16xi32> to vector<1x16xi32>
      tpu.vector_store %arg10[%swap3A_384, %swap3A_385], %swap3A_388 {strides = array<i32>} : memref<49x128xi32, #tpu.memory_space<vmem>>, vector<1x16xi32>,
      %get3A_389 = arith.constant 96 : index
      %get3A_390 = tpu.vector_load %arg7[%get3A_389] {strides = array<i32>} : memref<128xi32, #tpu.memory_space<vmem>>, vector<16xi32>,
      %get3A_391 = vector.shape_cast %get3A_390 : vector<16xi32> to vector<16xi32>
      %get3A_392 = arith.constant 96 : index
      %get3A_393 = tpu.vector_load %arg8[%get3A_392] {strides = array<i32>} : memref<128xi32, #tpu.memory_space<vmem>>, vector<16xi32>,
      %get3A_394 = vector.shape_cast %get3A_393 : vector<16xi32> to vector<16xi32>
      %mul3A_395 = arith.constant 2000 : i32
      %mul3A_396 = arith.muli %scan3A_254, %mul3A_395 : i32
      %add3A_397 = vector.broadcast %mul3A_396 : i32 to vector<16xi32>
      %add3A_398 = arith.addi %add3A_397, %get3A_391 : vector<16xi32>
      %le3A_399 = vector.broadcast %scan3A_254 : i32 to vector<16xi32>
      %le3A_400 = arith.cmpi sle, %get3A_394, %le3A_399 : vector<16xi32>
      %jit3A_401 = arith.constant 2000 : i32
      %jit3A_402 = arith.constant 0 : i32
      %broadcast_in_dim3A_403 = vector.broadcast %jit3A_401 : i32 to vector<16xi32>
      %broadcast_in_dim3A_404 = vector.broadcast %jit3A_402 : i32 to vector<16xi32>
      %select_n3A_405 = arith.select %le3A_400, %broadcast_in_dim3A_403, %broadcast_in_dim3A_404 : vector<16xi1>, vector<16xi32>
      %add3A_406 = arith.addi %add3A_398, %select_n3A_405 : vector<16xi32>
      %swap3A_407 = arith.index_cast %scan3A_254 : i32 to index
      %swap3A_408 = arith.constant 96 : index
      %swap3A_409 = tpu.vector_load %arg10[%swap3A_407, %swap3A_408] {strides = array<i32>} : memref<49x128xi32, #tpu.memory_space<vmem>>, vector<1x16xi32>,
      %swap3A_410 = vector.shape_cast %swap3A_409 : vector<1x16xi32> to vector<16xi32>
      %swap3A_411 = vector.shape_cast %add3A_406 : vector<16xi32> to vector<1x16xi32>
      tpu.vector_store %arg10[%swap3A_407, %swap3A_408], %swap3A_411 {strides = array<i32>} : memref<49x128xi32, #tpu.memory_space<vmem>>, vector<1x16xi32>,
      %get3A_412 = arith.constant 112 : index
      %get3A_413 = tpu.vector_load %arg7[%get3A_412] {strides = array<i32>} : memref<128xi32, #tpu.memory_space<vmem>>, vector<16xi32>,
      %get3A_414 = vector.shape_cast %get3A_413 : vector<16xi32> to vector<16xi32>
      %get3A_415 = arith.constant 112 : index
      %get3A_416 = tpu.vector_load %arg8[%get3A_415] {strides = array<i32>} : memref<128xi32, #tpu.memory_space<vmem>>, vector<16xi32>,
      %get3A_417 = vector.shape_cast %get3A_416 : vector<16xi32> to vector<16xi32>
      %mul3A_418 = arith.constant 2000 : i32
      %mul3A_419 = arith.muli %scan3A_254, %mul3A_418 : i32
      %add3A_420 = vector.broadcast %mul3A_419 : i32 to vector<16xi32>
      %add3A_421 = arith.addi %add3A_420, %get3A_414 : vector<16xi32>
      %le3A_422 = vector.broadcast %scan3A_254 : i32 to vector<16xi32>
      %le3A_423 = arith.cmpi sle, %get3A_417, %le3A_422 : vector<16xi32>
      %jit3A_424 = arith.constant 2000 : i32
      %jit3A_425 = arith.constant 0 : i32
      %broadcast_in_dim3A_426 = vector.broadcast %jit3A_424 : i32 to vector<16xi32>
      %broadcast_in_dim3A_427 = vector.broadcast %jit3A_425 : i32 to vector<16xi32>
      %select_n3A_428 = arith.select %le3A_423, %broadcast_in_dim3A_426, %broadcast_in_dim3A_427 : vector<16xi1>, vector<16xi32>
      %add3A_429 = arith.addi %add3A_421, %select_n3A_428 : vector<16xi32>
      %swap3A_430 = arith.index_cast %scan3A_254 : i32 to index
      %swap3A_431 = arith.constant 112 : index
      %swap3A_432 = tpu.vector_load %arg10[%swap3A_430, %swap3A_431] {strides = array<i32>} : memref<49x128xi32, #tpu.memory_space<vmem>>, vector<1x16xi32>,
      %swap3A_433 = vector.shape_cast %swap3A_432 : vector<1x16xi32> to vector<16xi32>
      %swap3A_434 = vector.shape_cast %add3A_429 : vector<16xi32> to vector<1x16xi32>
      tpu.vector_store %arg10[%swap3A_430, %swap3A_431], %swap3A_434 {strides = array<i32>} : memref<49x128xi32, #tpu.memory_space<vmem>>, vector<1x16xi32>,
    }
    %scan3A_7 = arith.constant 4 : i32
    %dma_start3A = arith.constant 0 : i32
    %dma_start3A_8 = arith.constant 0 : i32
    %dma_start3A_9 = arith.constant 0 : i32
    %dma_start3A_10 = arith.constant 0 : i32
    %dma_start3A_11 = tpu.memref_slice %arg12[%dma_start3A_8, %dma_start3A_9, %dma_start3A_10] : memref<6x128x128xf32, #tpu.memory_space<vmem>> -> memref<1x128x128xf32, #tpu.memory_space<vmem>>
    %dma_start3A_12 = tpu.memref_squeeze %dma_start3A_11 : memref<1x128x128xf32, #tpu.memory_space<vmem>> -> memref<128x128xf32, #tpu.memory_space<vmem>>
    %dma_start3A_13 = arith.constant 0 : i32
    %dma_start3A_14 = tpu.memref_slice %arg10[%dma_start3A, %dma_start3A_13] : memref<49x128xi32, #tpu.memory_space<vmem>> -> memref<1x128xi32, #tpu.memory_space<vmem>>
    %dma_start3A_15 = tpu.memref_squeeze %dma_start3A_14 : memref<1x128xi32, #tpu.memory_space<vmem>> -> memref<128xi32, #tpu.memory_space<vmem>>
    %dma_start3A_16 = arith.constant 0 : i32
    %dma_start3A_17 = arith.constant 0 : i32
    %dma_start3A_18 = tpu.memref_slice %arg4[%dma_start3A_16, %dma_start3A_17] : memref<100000x128xf32, #tpu.memory_space<hbm>> -> memref<100000x128xf32, #tpu.memory_space<hbm>>
    tpu.enqueue_indirect_dma source(%dma_start3A_18 : memref<100000x128xf32, #tpu.memory_space<hbm>>) target(%dma_start3A_12 : memref<128x128xf32, #tpu.memory_space<vmem>>) offsets(%dma_start3A_15 : memref<128xi32, #tpu.memory_space<vmem>>) semaphore(%arg14 : memref<!tpu.dma_semaphore, #tpu.memory_space<semaphore_mem>>)
    %dma_start3A_19 = arith.constant 1 : i32
    %dma_start3A_20 = arith.constant 1 : i32
    %dma_start3A_21 = arith.constant 0 : i32
    %dma_start3A_22 = arith.constant 0 : i32
    %dma_start3A_23 = tpu.memref_slice %arg12[%dma_start3A_20, %dma_start3A_21, %dma_start3A_22] : memref<6x128x128xf32, #tpu.memory_space<vmem>> -> memref<1x128x128xf32, #tpu.memory_space<vmem>>
    %dma_start3A_24 = tpu.memref_squeeze %dma_start3A_23 : memref<1x128x128xf32, #tpu.memory_space<vmem>> -> memref<128x128xf32, #tpu.memory_space<vmem>>
    %dma_start3A_25 = arith.constant 0 : i32
    %dma_start3A_26 = tpu.memref_slice %arg10[%dma_start3A_19, %dma_start3A_25] : memref<49x128xi32, #tpu.memory_space<vmem>> -> memref<1x128xi32, #tpu.memory_space<vmem>>
    %dma_start3A_27 = tpu.memref_squeeze %dma_start3A_26 : memref<1x128xi32, #tpu.memory_space<vmem>> -> memref<128xi32, #tpu.memory_space<vmem>>
    %dma_start3A_28 = arith.constant 0 : i32
    %dma_start3A_29 = arith.constant 0 : i32
    %dma_start3A_30 = tpu.memref_slice %arg4[%dma_start3A_28, %dma_start3A_29] : memref<100000x128xf32, #tpu.memory_space<hbm>> -> memref<100000x128xf32, #tpu.memory_space<hbm>>
    tpu.enqueue_indirect_dma source(%dma_start3A_30 : memref<100000x128xf32, #tpu.memory_space<hbm>>) target(%dma_start3A_24 : memref<128x128xf32, #tpu.memory_space<vmem>>) offsets(%dma_start3A_27 : memref<128xi32, #tpu.memory_space<vmem>>) semaphore(%arg15 : memref<!tpu.dma_semaphore, #tpu.memory_space<semaphore_mem>>)
    %dma_start3A_31 = arith.constant 2 : i32
    %dma_start3A_32 = arith.constant 2 : i32
    %dma_start3A_33 = arith.constant 0 : i32
    %dma_start3A_34 = arith.constant 0 : i32
    %dma_start3A_35 = tpu.memref_slice %arg12[%dma_start3A_32, %dma_start3A_33, %dma_start3A_34] : memref<6x128x128xf32, #tpu.memory_space<vmem>> -> memref<1x128x128xf32, #tpu.memory_space<vmem>>
    %dma_start3A_36 = tpu.memref_squeeze %dma_start3A_35 : memref<1x128x128xf32, #tpu.memory_space<vmem>> -> memref<128x128xf32, #tpu.memory_space<vmem>>
    %dma_start3A_37 = arith.constant 0 : i32
    %dma_start3A_38 = tpu.memref_slice %arg10[%dma_start3A_31, %dma_start3A_37] : memref<49x128xi32, #tpu.memory_space<vmem>> -> memref<1x128xi32, #tpu.memory_space<vmem>>
    %dma_start3A_39 = tpu.memref_squeeze %dma_start3A_38 : memref<1x128xi32, #tpu.memory_space<vmem>> -> memref<128xi32, #tpu.memory_space<vmem>>
    %dma_start3A_40 = arith.constant 0 : i32
    %dma_start3A_41 = arith.constant 0 : i32
    %dma_start3A_42 = tpu.memref_slice %arg4[%dma_start3A_40, %dma_start3A_41] : memref<100000x128xf32, #tpu.memory_space<hbm>> -> memref<100000x128xf32, #tpu.memory_space<hbm>>
    tpu.enqueue_indirect_dma source(%dma_start3A_42 : memref<100000x128xf32, #tpu.memory_space<hbm>>) target(%dma_start3A_36 : memref<128x128xf32, #tpu.memory_space<vmem>>) offsets(%dma_start3A_39 : memref<128xi32, #tpu.memory_space<vmem>>) semaphore(%arg16 : memref<!tpu.dma_semaphore, #tpu.memory_space<semaphore_mem>>)
    %dma_start3A_43 = arith.constant 3 : i32
    %dma_start3A_44 = arith.constant 3 : i32
    %dma_start3A_45 = arith.constant 0 : i32
    %dma_start3A_46 = arith.constant 0 : i32
    %dma_start3A_47 = tpu.memref_slice %arg12[%dma_start3A_44, %dma_start3A_45, %dma_start3A_46] : memref<6x128x128xf32, #tpu.memory_space<vmem>> -> memref<1x128x128xf32, #tpu.memory_space<vmem>>
    %dma_start3A_48 = tpu.memref_squeeze %dma_start3A_47 : memref<1x128x128xf32, #tpu.memory_space<vmem>> -> memref<128x128xf32, #tpu.memory_space<vmem>>
    %dma_start3A_49 = arith.constant 0 : i32
    %dma_start3A_50 = tpu.memref_slice %arg10[%dma_start3A_43, %dma_start3A_49] : memref<49x128xi32, #tpu.memory_space<vmem>> -> memref<1x128xi32, #tpu.memory_space<vmem>>
    %dma_start3A_51 = tpu.memref_squeeze %dma_start3A_50 : memref<1x128xi32, #tpu.memory_space<vmem>> -> memref<128xi32, #tpu.memory_space<vmem>>
    %dma_start3A_52 = arith.constant 0 : i32
    %dma_start3A_53 = arith.constant 0 : i32
    %dma_start3A_54 = tpu.memref_slice %arg4[%dma_start3A_52, %dma_start3A_53] : memref<100000x128xf32, #tpu.memory_space<hbm>> -> memref<100000x128xf32, #tpu.memory_space<hbm>>
    tpu.enqueue_indirect_dma source(%dma_start3A_54 : memref<100000x128xf32, #tpu.memory_space<hbm>>) target(%dma_start3A_48 : memref<128x128xf32, #tpu.memory_space<vmem>>) offsets(%dma_start3A_51 : memref<128xi32, #tpu.memory_space<vmem>>) semaphore(%arg17 : memref<!tpu.dma_semaphore, #tpu.memory_space<semaphore_mem>>)
    %get3A = arith.constant 0 : index
    %get3A_55 = tpu.vector_load %arg7[%get3A] {strides = array<i32>} : memref<128xi32, #tpu.memory_space<vmem>>, vector<16xi32>,
    %get3A_56 = vector.shape_cast %get3A_55 : vector<16xi32> to vector<16xi32>
    %get3A_57 = arith.constant 0 : index
    %get3A_58 = tpu.vector_load %arg8[%get3A_57] {strides = array<i32>} : memref<128xi32, #tpu.memory_space<vmem>>, vector<16xi32>,
    %get3A_59 = vector.shape_cast %get3A_58 : vector<16xi32> to vector<16xi32>
    %mul3A_60 = arith.constant 2000 : i32
    %mul3A_61 = vector.broadcast %mul3A_60 : i32 to vector<16xi32>
    %mul3A_62 = arith.muli %get3A_59, %mul3A_61 : vector<16xi32>
    %add3A_63 = arith.addi %mul3A_62, %get3A_56 : vector<16xi32>
    %swap3A = arith.constant 0 : index
    %swap3A_64 = tpu.vector_load %arg9[%swap3A] {strides = array<i32>} : memref<128xi32, #tpu.memory_space<vmem>>, vector<16xi32>,
    %swap3A_65 = vector.shape_cast %swap3A_64 : vector<16xi32> to vector<16xi32>
    %swap3A_66 = vector.shape_cast %add3A_63 : vector<16xi32> to vector<16xi32>
    tpu.vector_store %arg9[%swap3A], %swap3A_66 {strides = array<i32>} : memref<128xi32, #tpu.memory_space<vmem>>, vector<16xi32>,
    %get3A_67 = arith.constant 16 : index
    %get3A_68 = tpu.vector_load %arg7[%get3A_67] {strides = array<i32>} : memref<128xi32, #tpu.memory_space<vmem>>, vector<16xi32>,
    %get3A_69 = vector.shape_cast %get3A_68 : vector<16xi32> to vector<16xi32>
    %get3A_70 = arith.constant 16 : index
    %get3A_71 = tpu.vector_load %arg8[%get3A_70] {strides = array<i32>} : memref<128xi32, #tpu.memory_space<vmem>>, vector<16xi32>,
    %get3A_72 = vector.shape_cast %get3A_71 : vector<16xi32> to vector<16xi32>
    %mul3A_73 = arith.constant 2000 : i32
    %mul3A_74 = vector.broadcast %mul3A_73 : i32 to vector<16xi32>
    %mul3A_75 = arith.muli %get3A_72, %mul3A_74 : vector<16xi32>
    %add3A_76 = arith.addi %mul3A_75, %get3A_69 : vector<16xi32>
    %swap3A_77 = arith.constant 16 : index
    %swap3A_78 = tpu.vector_load %arg9[%swap3A_77] {strides = array<i32>} : memref<128xi32, #tpu.memory_space<vmem>>, vector<16xi32>,
    %swap3A_79 = vector.shape_cast %swap3A_78 : vector<16xi32> to vector<16xi32>
    %swap3A_80 = vector.shape_cast %add3A_76 : vector<16xi32> to vector<16xi32>
    tpu.vector_store %arg9[%swap3A_77], %swap3A_80 {strides = array<i32>} : memref<128xi32, #tpu.memory_space<vmem>>, vector<16xi32>,
    %get3A_81 = arith.constant 32 : index
    %get3A_82 = tpu.vector_load %arg7[%get3A_81] {strides = array<i32>} : memref<128xi32, #tpu.memory_space<vmem>>, vector<16xi32>,
    %get3A_83 = vector.shape_cast %get3A_82 : vector<16xi32> to vector<16xi32>
    %get3A_84 = arith.constant 32 : index
    %get3A_85 = tpu.vector_load %arg8[%get3A_84] {strides = array<i32>} : memref<128xi32, #tpu.memory_space<vmem>>, vector<16xi32>,
    %get3A_86 = vector.shape_cast %get3A_85 : vector<16xi32> to vector<16xi32>
    %mul3A_87 = arith.constant 2000 : i32
    %mul3A_88 = vector.broadcast %mul3A_87 : i32 to vector<16xi32>
    %mul3A_89 = arith.muli %get3A_86, %mul3A_88 : vector<16xi32>
    %add3A_90 = arith.addi %mul3A_89, %get3A_83 : vector<16xi32>
    %swap3A_91 = arith.constant 32 : index
    %swap3A_92 = tpu.vector_load %arg9[%swap3A_91] {strides = array<i32>} : memref<128xi32, #tpu.memory_space<vmem>>, vector<16xi32>,
    %swap3A_93 = vector.shape_cast %swap3A_92 : vector<16xi32> to vector<16xi32>
    %swap3A_94 = vector.shape_cast %add3A_90 : vector<16xi32> to vector<16xi32>
    tpu.vector_store %arg9[%swap3A_91], %swap3A_94 {strides = array<i32>} : memref<128xi32, #tpu.memory_space<vmem>>, vector<16xi32>,
    %get3A_95 = arith.constant 48 : index
    %get3A_96 = tpu.vector_load %arg7[%get3A_95] {strides = array<i32>} : memref<128xi32, #tpu.memory_space<vmem>>, vector<16xi32>,
    %get3A_97 = vector.shape_cast %get3A_96 : vector<16xi32> to vector<16xi32>
    %get3A_98 = arith.constant 48 : index
    %get3A_99 = tpu.vector_load %arg8[%get3A_98] {strides = array<i32>} : memref<128xi32, #tpu.memory_space<vmem>>, vector<16xi32>,
    %get3A_100 = vector.shape_cast %get3A_99 : vector<16xi32> to vector<16xi32>
    %mul3A_101 = arith.constant 2000 : i32
    %mul3A_102 = vector.broadcast %mul3A_101 : i32 to vector<16xi32>
    %mul3A_103 = arith.muli %get3A_100, %mul3A_102 : vector<16xi32>
    %add3A_104 = arith.addi %mul3A_103, %get3A_97 : vector<16xi32>
    %swap3A_105 = arith.constant 48 : index
    %swap3A_106 = tpu.vector_load %arg9[%swap3A_105] {strides = array<i32>} : memref<128xi32, #tpu.memory_space<vmem>>, vector<16xi32>,
    %swap3A_107 = vector.shape_cast %swap3A_106 : vector<16xi32> to vector<16xi32>
    %swap3A_108 = vector.shape_cast %add3A_104 : vector<16xi32> to vector<16xi32>
    tpu.vector_store %arg9[%swap3A_105], %swap3A_108 {strides = array<i32>} : memref<128xi32, #tpu.memory_space<vmem>>, vector<16xi32>,
    %get3A_109 = arith.constant 64 : index
    %get3A_110 = tpu.vector_load %arg7[%get3A_109] {strides = array<i32>} : memref<128xi32, #tpu.memory_space<vmem>>, vector<16xi32>,
    %get3A_111 = vector.shape_cast %get3A_110 : vector<16xi32> to vector<16xi32>
    %get3A_112 = arith.constant 64 : index
    %get3A_113 = tpu.vector_load %arg8[%get3A_112] {strides = array<i32>} : memref<128xi32, #tpu.memory_space<vmem>>, vector<16xi32>,
    %get3A_114 = vector.shape_cast %get3A_113 : vector<16xi32> to vector<16xi32>
    %mul3A_115 = arith.constant 2000 : i32
    %mul3A_116 = vector.broadcast %mul3A_115 : i32 to vector<16xi32>
    %mul3A_117 = arith.muli %get3A_114, %mul3A_116 : vector<16xi32>
    %add3A_118 = arith.addi %mul3A_117, %get3A_111 : vector<16xi32>
    %swap3A_119 = arith.constant 64 : index
    %swap3A_120 = tpu.vector_load %arg9[%swap3A_119] {strides = array<i32>} : memref<128xi32, #tpu.memory_space<vmem>>, vector<16xi32>,
    %swap3A_121 = vector.shape_cast %swap3A_120 : vector<16xi32> to vector<16xi32>
    %swap3A_122 = vector.shape_cast %add3A_118 : vector<16xi32> to vector<16xi32>
    tpu.vector_store %arg9[%swap3A_119], %swap3A_122 {strides = array<i32>} : memref<128xi32, #tpu.memory_space<vmem>>, vector<16xi32>,
    %get3A_123 = arith.constant 80 : index
    %get3A_124 = tpu.vector_load %arg7[%get3A_123] {strides = array<i32>} : memref<128xi32, #tpu.memory_space<vmem>>, vector<16xi32>,
    %get3A_125 = vector.shape_cast %get3A_124 : vector<16xi32> to vector<16xi32>
    %get3A_126 = arith.constant 80 : index
    %get3A_127 = tpu.vector_load %arg8[%get3A_126] {strides = array<i32>} : memref<128xi32, #tpu.memory_space<vmem>>, vector<16xi32>,
    %get3A_128 = vector.shape_cast %get3A_127 : vector<16xi32> to vector<16xi32>
    %mul3A_129 = arith.constant 2000 : i32
    %mul3A_130 = vector.broadcast %mul3A_129 : i32 to vector<16xi32>
    %mul3A_131 = arith.muli %get3A_128, %mul3A_130 : vector<16xi32>
    %add3A_132 = arith.addi %mul3A_131, %get3A_125 : vector<16xi32>
    %swap3A_133 = arith.constant 80 : index
    %swap3A_134 = tpu.vector_load %arg9[%swap3A_133] {strides = array<i32>} : memref<128xi32, #tpu.memory_space<vmem>>, vector<16xi32>,
    %swap3A_135 = vector.shape_cast %swap3A_134 : vector<16xi32> to vector<16xi32>
    %swap3A_136 = vector.shape_cast %add3A_132 : vector<16xi32> to vector<16xi32>
    tpu.vector_store %arg9[%swap3A_133], %swap3A_136 {strides = array<i32>} : memref<128xi32, #tpu.memory_space<vmem>>, vector<16xi32>,
    %get3A_137 = arith.constant 96 : index
    %get3A_138 = tpu.vector_load %arg7[%get3A_137] {strides = array<i32>} : memref<128xi32, #tpu.memory_space<vmem>>, vector<16xi32>,
    %get3A_139 = vector.shape_cast %get3A_138 : vector<16xi32> to vector<16xi32>
    %get3A_140 = arith.constant 96 : index
    %get3A_141 = tpu.vector_load %arg8[%get3A_140] {strides = array<i32>} : memref<128xi32, #tpu.memory_space<vmem>>, vector<16xi32>,
    %get3A_142 = vector.shape_cast %get3A_141 : vector<16xi32> to vector<16xi32>
    %mul3A_143 = arith.constant 2000 : i32
    %mul3A_144 = vector.broadcast %mul3A_143 : i32 to vector<16xi32>
    %mul3A_145 = arith.muli %get3A_142, %mul3A_144 : vector<16xi32>
    %add3A_146 = arith.addi %mul3A_145, %get3A_139 : vector<16xi32>
    %swap3A_147 = arith.constant 96 : index
    %swap3A_148 = tpu.vector_load %arg9[%swap3A_147] {strides = array<i32>} : memref<128xi32, #tpu.memory_space<vmem>>, vector<16xi32>,
    %swap3A_149 = vector.shape_cast %swap3A_148 : vector<16xi32> to vector<16xi32>
    %swap3A_150 = vector.shape_cast %add3A_146 : vector<16xi32> to vector<16xi32>
    tpu.vector_store %arg9[%swap3A_147], %swap3A_150 {strides = array<i32>} : memref<128xi32, #tpu.memory_space<vmem>>, vector<16xi32>,
    %get3A_151 = arith.constant 112 : index
    %get3A_152 = tpu.vector_load %arg7[%get3A_151] {strides = array<i32>} : memref<128xi32, #tpu.memory_space<vmem>>, vector<16xi32>,
    %get3A_153 = vector.shape_cast %get3A_152 : vector<16xi32> to vector<16xi32>
    %get3A_154 = arith.constant 112 : index
    %get3A_155 = tpu.vector_load %arg8[%get3A_154] {strides = array<i32>} : memref<128xi32, #tpu.memory_space<vmem>>, vector<16xi32>,
    %get3A_156 = vector.shape_cast %get3A_155 : vector<16xi32> to vector<16xi32>
    %mul3A_157 = arith.constant 2000 : i32
    %mul3A_158 = vector.broadcast %mul3A_157 : i32 to vector<16xi32>
    %mul3A_159 = arith.muli %get3A_156, %mul3A_158 : vector<16xi32>
    %add3A_160 = arith.addi %mul3A_159, %get3A_153 : vector<16xi32>
    %swap3A_161 = arith.constant 112 : index
    %swap3A_162 = tpu.vector_load %arg9[%swap3A_161] {strides = array<i32>} : memref<128xi32, #tpu.memory_space<vmem>>, vector<16xi32>,
    %swap3A_163 = vector.shape_cast %swap3A_162 : vector<16xi32> to vector<16xi32>
    %swap3A_164 = vector.shape_cast %add3A_160 : vector<16xi32> to vector<16xi32>
    tpu.vector_store %arg9[%swap3A_161], %swap3A_164 {strides = array<i32>} : memref<128xi32, #tpu.memory_space<vmem>>, vector<16xi32>,
    %dma_start3A_165 = arith.constant 0 : i32
    %dma_start3A_166 = arith.constant 0 : i32
    %dma_start3A_167 = tpu.memref_slice %arg4[%dma_start3A_165, %dma_start3A_166] : memref<100000x128xf32, #tpu.memory_space<hbm>> -> memref<100000x128xf32, #tpu.memory_space<hbm>>
    tpu.enqueue_indirect_dma source(%dma_start3A_167 : memref<100000x128xf32, #tpu.memory_space<hbm>>) target(%arg11 : memref<128x128xf32, #tpu.memory_space<vmem>>) offsets(%arg9 : memref<128xi32, #tpu.memory_space<vmem>>) semaphore(%arg13 : memref<!tpu.dma_semaphore, #tpu.memory_space<semaphore_mem>>)
    %scan3A_168 = arith.constant 0 : i32
    %scan3A_169 = arith.constant 4 : i32
    %scan3A_170 = arith.constant 45 : i32
    %scan3A_171 = arith.addi %scan3A_169, %scan3A_170 : i32
    %scan3A_172 = arith.constant 1 : i32
    scf.for %scan3A_254 = %scan3A_169 to %scan3A_171 step %scan3A_172  : i32 {
      %get3A_255 = arith.constant 0 : index
      %get3A_256 = tpu.vector_load %arg7[%get3A_255] {strides = array<i32>} : memref<128xi32, #tpu.memory_space<vmem>>, vector<16xi32>,
      %get3A_257 = vector.shape_cast %get3A_256 : vector<16xi32> to vector<16xi32>
      %get3A_258 = arith.constant 0 : index
      %get3A_259 = tpu.vector_load %arg8[%get3A_258] {strides = array<i32>} : memref<128xi32, #tpu.memory_space<vmem>>, vector<16xi32>,
      %get3A_260 = vector.shape_cast %get3A_259 : vector<16xi32> to vector<16xi32>
      %mul3A_261 = arith.constant 2000 : i32
      %mul3A_262 = arith.muli %scan3A_254, %mul3A_261 : i32
      %add3A_263 = vector.broadcast %mul3A_262 : i32 to vector<16xi32>
      %add3A_264 = arith.addi %add3A_263, %get3A_257 : vector<16xi32>
      %le3A = vector.broadcast %scan3A_254 : i32 to vector<16xi32>
      %le3A_265 = arith.cmpi sle, %get3A_260, %le3A : vector<16xi32>
      %jit3A = arith.constant 2000 : i32
      %jit3A_266 = arith.constant 0 : i32
      %broadcast_in_dim3A = vector.broadcast %jit3A : i32 to vector<16xi32>
      %broadcast_in_dim3A_267 = vector.broadcast %jit3A_266 : i32 to vector<16xi32>
      %select_n3A = arith.select %le3A_265, %broadcast_in_dim3A, %broadcast_in_dim3A_267 : vector<16xi1>, vector<16xi32>
      %add3A_268 = arith.addi %add3A_264, %select_n3A : vector<16xi32>
      %swap3A_269 = arith.index_cast %scan3A_254 : i32 to index
      %swap3A_270 = arith.constant 0 : index
      %swap3A_271 = tpu.vector_load %arg10[%swap3A_269, %swap3A_270] {strides = array<i32>} : memref<49x128xi32, #tpu.memory_space<vmem>>, vector<1x16xi32>,
      %swap3A_272 = vector.shape_cast %swap3A_271 : vector<1x16xi32> to vector<16xi32>
      %swap3A_273 = vector.shape_cast %add3A_268 : vector<16xi32> to vector<1x16xi32>
      tpu.vector_store %arg10[%swap3A_269, %swap3A_270], %swap3A_273 {strides = array<i32>} : memref<49x128xi32, #tpu.memory_space<vmem>>, vector<1x16xi32>,
      %get3A_274 = arith.constant 16 : index
      %get3A_275 = tpu.vector_load %arg7[%get3A_274] {strides = array<i32>} : memref<128xi32, #tpu.memory_space<vmem>>, vector<16xi32>,
      %get3A_276 = vector.shape_cast %get3A_275 : vector<16xi32> to vector<16xi32>
      %get3A_277 = arith.constant 16 : index
      %get3A_278 = tpu.vector_load %arg8[%get3A_277] {strides = array<i32>} : memref<128xi32, #tpu.memory_space<vmem>>, vector<16xi32>,
      %get3A_279 = vector.shape_cast %get3A_278 : vector<16xi32> to vector<16xi32>
      %mul3A_280 = arith.constant 2000 : i32
      %mul3A_281 = arith.muli %scan3A_254, %mul3A_280 : i32
      %add3A_282 = vector.broadcast %mul3A_281 : i32 to vector<16xi32>
      %add3A_283 = arith.addi %add3A_282, %get3A_276 : vector<16xi32>
      %le3A_284 = vector.broadcast %scan3A_254 : i32 to vector<16xi32>
      %le3A_285 = arith.cmpi sle, %get3A_279, %le3A_284 : vector<16xi32>
      %jit3A_286 = arith.constant 2000 : i32
      %jit3A_287 = arith.constant 0 : i32
      %broadcast_in_dim3A_288 = vector.broadcast %jit3A_286 : i32 to vector<16xi32>
      %broadcast_in_dim3A_289 = vector.broadcast %jit3A_287 : i32 to vector<16xi32>
      %select_n3A_290 = arith.select %le3A_285, %broadcast_in_dim3A_288, %broadcast_in_dim3A_289 : vector<16xi1>, vector<16xi32>
      %add3A_291 = arith.addi %add3A_283, %select_n3A_290 : vector<16xi32>
      %swap3A_292 = arith.index_cast %scan3A_254 : i32 to index
      %swap3A_293 = arith.constant 16 : index
      %swap3A_294 = tpu.vector_load %arg10[%swap3A_292, %swap3A_293] {strides = array<i32>} : memref<49x128xi32, #tpu.memory_space<vmem>>, vector<1x16xi32>,
      %swap3A_295 = vector.shape_cast %swap3A_294 : vector<1x16xi32> to vector<16xi32>
      %swap3A_296 = vector.shape_cast %add3A_291 : vector<16xi32> to vector<1x16xi32>
      tpu.vector_store %arg10[%swap3A_292, %swap3A_293], %swap3A_296 {strides = array<i32>} : memref<49x128xi32, #tpu.memory_space<vmem>>, vector<1x16xi32>,
      %get3A_297 = arith.constant 32 : index
      %get3A_298 = tpu.vector_load %arg7[%get3A_297] {strides = array<i32>} : memref<128xi32, #tpu.memory_space<vmem>>, vector<16xi32>,
      %get3A_299 = vector.shape_cast %get3A_298 : vector<16xi32> to vector<16xi32>
      %get3A_300 = arith.constant 32 : index
      %get3A_301 = tpu.vector_load %arg8[%get3A_300] {strides = array<i32>} : memref<128xi32, #tpu.memory_space<vmem>>, vector<16xi32>,
      %get3A_302 = vector.shape_cast %get3A_301 : vector<16xi32> to vector<16xi32>
      %mul3A_303 = arith.constant 2000 : i32
      %mul3A_304 = arith.muli %scan3A_254, %mul3A_303 : i32
      %add3A_305 = vector.broadcast %mul3A_304 : i32 to vector<16xi32>
      %add3A_306 = arith.addi %add3A_305, %get3A_299 : vector<16xi32>
      %le3A_307 = vector.broadcast %scan3A_254 : i32 to vector<16xi32>
      %le3A_308 = arith.cmpi sle, %get3A_302, %le3A_307 : vector<16xi32>
      %jit3A_309 = arith.constant 2000 : i32
      %jit3A_310 = arith.constant 0 : i32
      %broadcast_in_dim3A_311 = vector.broadcast %jit3A_309 : i32 to vector<16xi32>
      %broadcast_in_dim3A_312 = vector.broadcast %jit3A_310 : i32 to vector<16xi32>
      %select_n3A_313 = arith.select %le3A_308, %broadcast_in_dim3A_311, %broadcast_in_dim3A_312 : vector<16xi1>, vector<16xi32>
      %add3A_314 = arith.addi %add3A_306, %select_n3A_313 : vector<16xi32>
      %swap3A_315 = arith.index_cast %scan3A_254 : i32 to index
      %swap3A_316 = arith.constant 32 : index
      %swap3A_317 = tpu.vector_load %arg10[%swap3A_315, %swap3A_316] {strides = array<i32>} : memref<49x128xi32, #tpu.memory_space<vmem>>, vector<1x16xi32>,
      %swap3A_318 = vector.shape_cast %swap3A_317 : vector<1x16xi32> to vector<16xi32>
      %swap3A_319 = vector.shape_cast %add3A_314 : vector<16xi32> to vector<1x16xi32>
      tpu.vector_store %arg10[%swap3A_315, %swap3A_316], %swap3A_319 {strides = array<i32>} : memref<49x128xi32, #tpu.memory_space<vmem>>, vector<1x16xi32>,
      %get3A_320 = arith.constant 48 : index
      %get3A_321 = tpu.vector_load %arg7[%get3A_320] {strides = array<i32>} : memref<128xi32, #tpu.memory_space<vmem>>, vector<16xi32>,
      %get3A_322 = vector.shape_cast %get3A_321 : vector<16xi32> to vector<16xi32>
      %get3A_323 = arith.constant 48 : index
      %get3A_324 = tpu.vector_load %arg8[%get3A_323] {strides = array<i32>} : memref<128xi32, #tpu.memory_space<vmem>>, vector<16xi32>,
      %get3A_325 = vector.shape_cast %get3A_324 : vector<16xi32> to vector<16xi32>
      %mul3A_326 = arith.constant 2000 : i32
      %mul3A_327 = arith.muli %scan3A_254, %mul3A_326 : i32
      %add3A_328 = vector.broadcast %mul3A_327 : i32 to vector<16xi32>
      %add3A_329 = arith.addi %add3A_328, %get3A_322 : vector<16xi32>
      %le3A_330 = vector.broadcast %scan3A_254 : i32 to vector<16xi32>
      %le3A_331 = arith.cmpi sle, %get3A_325, %le3A_330 : vector<16xi32>
      %jit3A_332 = arith.constant 2000 : i32
      %jit3A_333 = arith.constant 0 : i32
      %broadcast_in_dim3A_334 = vector.broadcast %jit3A_332 : i32 to vector<16xi32>
      %broadcast_in_dim3A_335 = vector.broadcast %jit3A_333 : i32 to vector<16xi32>
      %select_n3A_336 = arith.select %le3A_331, %broadcast_in_dim3A_334, %broadcast_in_dim3A_335 : vector<16xi1>, vector<16xi32>
      %add3A_337 = arith.addi %add3A_329, %select_n3A_336 : vector<16xi32>
      %swap3A_338 = arith.index_cast %scan3A_254 : i32 to index
      %swap3A_339 = arith.constant 48 : index
      %swap3A_340 = tpu.vector_load %arg10[%swap3A_338, %swap3A_339] {strides = array<i32>} : memref<49x128xi32, #tpu.memory_space<vmem>>, vector<1x16xi32>,
      %swap3A_341 = vector.shape_cast %swap3A_340 : vector<1x16xi32> to vector<16xi32>
      %swap3A_342 = vector.shape_cast %add3A_337 : vector<16xi32> to vector<1x16xi32>
      tpu.vector_store %arg10[%swap3A_338, %swap3A_339], %swap3A_342 {strides = array<i32>} : memref<49x128xi32, #tpu.memory_space<vmem>>, vector<1x16xi32>,
      %get3A_343 = arith.constant 64 : index
      %get3A_344 = tpu.vector_load %arg7[%get3A_343] {strides = array<i32>} : memref<128xi32, #tpu.memory_space<vmem>>, vector<16xi32>,
      %get3A_345 = vector.shape_cast %get3A_344 : vector<16xi32> to vector<16xi32>
      %get3A_346 = arith.constant 64 : index
      %get3A_347 = tpu.vector_load %arg8[%get3A_346] {strides = array<i32>} : memref<128xi32, #tpu.memory_space<vmem>>, vector<16xi32>,
      %get3A_348 = vector.shape_cast %get3A_347 : vector<16xi32> to vector<16xi32>
      %mul3A_349 = arith.constant 2000 : i32
      %mul3A_350 = arith.muli %scan3A_254, %mul3A_349 : i32
      %add3A_351 = vector.broadcast %mul3A_350 : i32 to vector<16xi32>
      %add3A_352 = arith.addi %add3A_351, %get3A_345 : vector<16xi32>
      %le3A_353 = vector.broadcast %scan3A_254 : i32 to vector<16xi32>
      %le3A_354 = arith.cmpi sle, %get3A_348, %le3A_353 : vector<16xi32>
      %jit3A_355 = arith.constant 2000 : i32
      %jit3A_356 = arith.constant 0 : i32
      %broadcast_in_dim3A_357 = vector.broadcast %jit3A_355 : i32 to vector<16xi32>
      %broadcast_in_dim3A_358 = vector.broadcast %jit3A_356 : i32 to vector<16xi32>
      %select_n3A_359 = arith.select %le3A_354, %broadcast_in_dim3A_357, %broadcast_in_dim3A_358 : vector<16xi1>, vector<16xi32>
      %add3A_360 = arith.addi %add3A_352, %select_n3A_359 : vector<16xi32>
      %swap3A_361 = arith.index_cast %scan3A_254 : i32 to index
      %swap3A_362 = arith.constant 64 : index
      %swap3A_363 = tpu.vector_load %arg10[%swap3A_361, %swap3A_362] {strides = array<i32>} : memref<49x128xi32, #tpu.memory_space<vmem>>, vector<1x16xi32>,
      %swap3A_364 = vector.shape_cast %swap3A_363 : vector<1x16xi32> to vector<16xi32>
      %swap3A_365 = vector.shape_cast %add3A_360 : vector<16xi32> to vector<1x16xi32>
      tpu.vector_store %arg10[%swap3A_361, %swap3A_362], %swap3A_365 {strides = array<i32>} : memref<49x128xi32, #tpu.memory_space<vmem>>, vector<1x16xi32>,
      %get3A_366 = arith.constant 80 : index
      %get3A_367 = tpu.vector_load %arg7[%get3A_366] {strides = array<i32>} : memref<128xi32, #tpu.memory_space<vmem>>, vector<16xi32>,
      %get3A_368 = vector.shape_cast %get3A_367 : vector<16xi32> to vector<16xi32>
      %get3A_369 = arith.constant 80 : index
      %get3A_370 = tpu.vector_load %arg8[%get3A_369] {strides = array<i32>} : memref<128xi32, #tpu.memory_space<vmem>>, vector<16xi32>,
      %get3A_371 = vector.shape_cast %get3A_370 : vector<16xi32> to vector<16xi32>
      %mul3A_372 = arith.constant 2000 : i32
      %mul3A_373 = arith.muli %scan3A_254, %mul3A_372 : i32
      %add3A_374 = vector.broadcast %mul3A_373 : i32 to vector<16xi32>
      %add3A_375 = arith.addi %add3A_374, %get3A_368 : vector<16xi32>
      %le3A_376 = vector.broadcast %scan3A_254 : i32 to vector<16xi32>
      %le3A_377 = arith.cmpi sle, %get3A_371, %le3A_376 : vector<16xi32>
      %jit3A_378 = arith.constant 2000 : i32
      %jit3A_379 = arith.constant 0 : i32
      %broadcast_in_dim3A_380 = vector.broadcast %jit3A_378 : i32 to vector<16xi32>
      %broadcast_in_dim3A_381 = vector.broadcast %jit3A_379 : i32 to vector<16xi32>
      %select_n3A_382 = arith.select %le3A_377, %broadcast_in_dim3A_380, %broadcast_in_dim3A_381 : vector<16xi1>, vector<16xi32>
      %add3A_383 = arith.addi %add3A_375, %select_n3A_382 : vector<16xi32>
      %swap3A_384 = arith.index_cast %scan3A_254 : i32 to index
      %swap3A_385 = arith.constant 80 : index
      %swap3A_386 = tpu.vector_load %arg10[%swap3A_384, %swap3A_385] {strides = array<i32>} : memref<49x128xi32, #tpu.memory_space<vmem>>, vector<1x16xi32>,
      %swap3A_387 = vector.shape_cast %swap3A_386 : vector<1x16xi32> to vector<16xi32>
      %swap3A_388 = vector.shape_cast %add3A_383 : vector<16xi32> to vector<1x16xi32>
      tpu.vector_store %arg10[%swap3A_384, %swap3A_385], %swap3A_388 {strides = array<i32>} : memref<49x128xi32, #tpu.memory_space<vmem>>, vector<1x16xi32>,
      %get3A_389 = arith.constant 96 : index
      %get3A_390 = tpu.vector_load %arg7[%get3A_389] {strides = array<i32>} : memref<128xi32, #tpu.memory_space<vmem>>, vector<16xi32>,
      %get3A_391 = vector.shape_cast %get3A_390 : vector<16xi32> to vector<16xi32>
      %get3A_392 = arith.constant 96 : index
      %get3A_393 = tpu.vector_load %arg8[%get3A_392] {strides = array<i32>} : memref<128xi32, #tpu.memory_space<vmem>>, vector<16xi32>,
      %get3A_394 = vector.shape_cast %get3A_393 : vector<16xi32> to vector<16xi32>
      %mul3A_395 = arith.constant 2000 : i32
      %mul3A_396 = arith.muli %scan3A_254, %mul3A_395 : i32
      %add3A_397 = vector.broadcast %mul3A_396 : i32 to vector<16xi32>
      %add3A_398 = arith.addi %add3A_397, %get3A_391 : vector<16xi32>
      %le3A_399 = vector.broadcast %scan3A_254 : i32 to vector<16xi32>
      %le3A_400 = arith.cmpi sle, %get3A_394, %le3A_399 : vector<16xi32>
      %jit3A_401 = arith.constant 2000 : i32
      %jit3A_402 = arith.constant 0 : i32
      %broadcast_in_dim3A_403 = vector.broadcast %jit3A_401 : i32 to vector<16xi32>
      %broadcast_in_dim3A_404 = vector.broadcast %jit3A_402 : i32 to vector<16xi32>
      %select_n3A_405 = arith.select %le3A_400, %broadcast_in_dim3A_403, %broadcast_in_dim3A_404 : vector<16xi1>, vector<16xi32>
      %add3A_406 = arith.addi %add3A_398, %select_n3A_405 : vector<16xi32>
      %swap3A_407 = arith.index_cast %scan3A_254 : i32 to index
      %swap3A_408 = arith.constant 96 : index
      %swap3A_409 = tpu.vector_load %arg10[%swap3A_407, %swap3A_408] {strides = array<i32>} : memref<49x128xi32, #tpu.memory_space<vmem>>, vector<1x16xi32>,
      %swap3A_410 = vector.shape_cast %swap3A_409 : vector<1x16xi32> to vector<16xi32>
      %swap3A_411 = vector.shape_cast %add3A_406 : vector<16xi32> to vector<1x16xi32>
      tpu.vector_store %arg10[%swap3A_407, %swap3A_408], %swap3A_411 {strides = array<i32>} : memref<49x128xi32, #tpu.memory_space<vmem>>, vector<1x16xi32>,
      %get3A_412 = arith.constant 112 : index
      %get3A_413 = tpu.vector_load %arg7[%get3A_412] {strides = array<i32>} : memref<128xi32, #tpu.memory_space<vmem>>, vector<16xi32>,
      %get3A_414 = vector.shape_cast %get3A_413 : vector<16xi32> to vector<16xi32>
      %get3A_415 = arith.constant 112 : index
      %get3A_416 = tpu.vector_load %arg8[%get3A_415] {strides = array<i32>} : memref<128xi32, #tpu.memory_space<vmem>>, vector<16xi32>,
      %get3A_417 = vector.shape_cast %get3A_416 : vector<16xi32> to vector<16xi32>
      %mul3A_418 = arith.constant 2000 : i32
      %mul3A_419 = arith.muli %scan3A_254, %mul3A_418 : i32
      %add3A_420 = vector.broadcast %mul3A_419 : i32 to vector<16xi32>
      %add3A_421 = arith.addi %add3A_420, %get3A_414 : vector<16xi32>
      %le3A_422 = vector.broadcast %scan3A_254 : i32 to vector<16xi32>
      %le3A_423 = arith.cmpi sle, %get3A_417, %le3A_422 : vector<16xi32>
      %jit3A_424 = arith.constant 2000 : i32
      %jit3A_425 = arith.constant 0 : i32
      %broadcast_in_dim3A_426 = vector.broadcast %jit3A_424 : i32 to vector<16xi32>
      %broadcast_in_dim3A_427 = vector.broadcast %jit3A_425 : i32 to vector<16xi32>
      %select_n3A_428 = arith.select %le3A_423, %broadcast_in_dim3A_426, %broadcast_in_dim3A_427 : vector<16xi1>, vector<16xi32>
      %add3A_429 = arith.addi %add3A_421, %select_n3A_428 : vector<16xi32>
      %swap3A_430 = arith.index_cast %scan3A_254 : i32 to index
      %swap3A_431 = arith.constant 112 : index
      %swap3A_432 = tpu.vector_load %arg10[%swap3A_430, %swap3A_431] {strides = array<i32>} : memref<49x128xi32, #tpu.memory_space<vmem>>, vector<1x16xi32>,
      %swap3A_433 = vector.shape_cast %swap3A_432 : vector<1x16xi32> to vector<16xi32>
      %swap3A_434 = vector.shape_cast %add3A_429 : vector<16xi32> to vector<1x16xi32>
      tpu.vector_store %arg10[%swap3A_430, %swap3A_431], %swap3A_434 {strides = array<i32>} : memref<49x128xi32, #tpu.memory_space<vmem>>, vector<1x16xi32>,
    }
    %scan3A_173 = arith.constant 45 : i32
    %scan3A_174 = arith.constant 0 : i32
    %scan3A_175 = arith.constant 0 : i32
    %scan3A_176 = arith.constant 8 : i32
    %scan3A_177 = arith.addi %scan3A_175, %scan3A_176 : i32
    %scan3A_178 = arith.constant 1 : i32
    scf.for %scan3A_254 = %scan3A_175 to %scan3A_177 step %scan3A_178  : i32 {
      %mul3A_255 = arith.constant 6 : i32
      %mul3A_256 = arith.muli %mul3A_255, %scan3A_254 : i32
      %add3A_257 = arith.constant 0 : i32
      %add3A_258 = arith.addi %mul3A_256, %add3A_257 : i32
      %dma_wait3A_259 = arith.constant 0 : i32
      %dma_wait3A_260 = arith.constant 0 : i32
      %dma_wait3A_261 = arith.constant 0 : i32
      %dma_wait3A_262 = tpu.memref_slice %arg12[%dma_wait3A_259, %dma_wait3A_260, %dma_wait3A_261] : memref<6x128x128xf32, #tpu.memory_space<vmem>> -> memref<1x128x128xf32, #tpu.memory_space<vmem>>
      %dma_wait3A_263 = tpu.memref_squeeze %dma_wait3A_262 : memref<1x128x128xf32, #tpu.memory_space<vmem>> -> memref<128x128xf32, #tpu.memory_space<vmem>>
      %dma_wait3A_264 = arith.constant 0 : i32
      %dma_wait3A_265 = tpu.memref_slice %arg10[%add3A_258, %dma_wait3A_264] : memref<49x128xi32, #tpu.memory_space<vmem>> -> memref<1x128xi32, #tpu.memory_space<vmem>>
      %dma_wait3A_266 = tpu.memref_squeeze %dma_wait3A_265 : memref<1x128xi32, #tpu.memory_space<vmem>> -> memref<128xi32, #tpu.memory_space<vmem>>
      %dma_wait3A_267 = arith.constant 0 : i32
      %dma_wait3A_268 = arith.constant 0 : i32
      %dma_wait3A_269 = tpu.memref_slice %arg4[%dma_wait3A_267, %dma_wait3A_268] : memref<100000x128xf32, #tpu.memory_space<hbm>> -> memref<100000x128xf32, #tpu.memory_space<hbm>>
      tpu.wait_indirect_dma semaphore(%arg14 : memref<!tpu.dma_semaphore, #tpu.memory_space<semaphore_mem>>) src(%dma_wait3A_269 : memref<100000x128xf32, #tpu.memory_space<hbm>>) dst(%dma_wait3A_263 : memref<128x128xf32, #tpu.memory_space<vmem>>)
      %mul3A_270 = arith.constant 4096 : i32
      %mul3A_271 = arith.muli %add3A_258, %mul3A_270 : i32
      %add3A_272 = arith.addi %mul3A_271, %mul3A_2 : i32
      %dma_start3A_273 = arith.constant 0 : i32
      %dma_start3A_274 = arith.constant 0 : i32
      %dma_start3A_275 = arith.constant 0 : i32
      %dma_start3A_276 = tpu.memref_slice %arg12[%dma_start3A_273, %dma_start3A_274, %dma_start3A_275] : memref<6x128x128xf32, #tpu.memory_space<vmem>> -> memref<1x128x128xf32, #tpu.memory_space<vmem>>
      %dma_start3A_277 = tpu.memref_squeeze %dma_start3A_276 : memref<1x128x128xf32, #tpu.memory_space<vmem>> -> memref<128x128xf32, #tpu.memory_space<vmem>>
      %dma_start3A_278 = arith.constant 0 : i32
      %dma_start3A_279 = tpu.memref_slice %arg6[%add3A_272, %dma_start3A_278] : memref<200704x128xf32, #tpu.memory_space<hbm>> -> memref<128x128xf32, #tpu.memory_space<hbm>>
      %dma_start3A_280 = arith.constant 0 : i32
      %dma_start3A_281 = tpu.memref_slice %arg6[%add3A_272, %dma_start3A_280] : memref<200704x128xf32, #tpu.memory_space<hbm>> -> memref<128x128xf32, #tpu.memory_space<hbm>>
      %dma_start3A_282 = arith.constant 0 : i32
      %dma_start3A_283 = arith.constant 0 : i32
      %dma_start3A_284 = tpu.memref_slice %arg12[%dma_start3A_273, %dma_start3A_282, %dma_start3A_283] : memref<6x128x128xf32, #tpu.memory_space<vmem>> -> memref<1x128x128xf32, #tpu.memory_space<vmem>>
      %dma_start3A_285 = tpu.memref_squeeze %dma_start3A_284 : memref<1x128x128xf32, #tpu.memory_space<vmem>> -> memref<128x128xf32, #tpu.memory_space<vmem>>
      tpu.enqueue_dma source(%dma_start3A_285 : memref<128x128xf32, #tpu.memory_space<vmem>>) target(%dma_start3A_281 : memref<128x128xf32, #tpu.memory_space<hbm>>) target_semaphore(%arg20 : memref<!tpu.dma_semaphore, #tpu.memory_space<semaphore_mem>>)
      %ge3A = arith.constant 1 : i32
      %ge3A_286 = arith.cmpi sge, %scan3A_254, %ge3A : i32
      %convert_element_type3A = arith.extui %ge3A_286 : i1 to i32
      %cond3A = arith.constant 0 : i32
      %cond3A_287 = arith.cmpi ne, %convert_element_type3A, %cond3A : i32
      scf.if %cond3A_287 {
        %sub3A_584 = arith.constant 2 : i32
        %sub3A_585 = arith.subi %add3A_258, %sub3A_584 : i32
        %mul3A_586 = arith.constant 4096 : i32
        %mul3A_587 = arith.muli %sub3A_585, %mul3A_586 : i32
        %add3A_588 = arith.addi %mul3A_587, %mul3A_2 : i32
        %dma_wait3A_589 = arith.constant 4 : i32
        %dma_wait3A_590 = arith.constant 0 : i32
        %dma_wait3A_591 = arith.constant 0 : i32
        %dma_wait3A_592 = tpu.memref_slice %arg12[%dma_wait3A_589, %dma_wait3A_590, %dma_wait3A_591] : memref<6x128x128xf32, #tpu.memory_space<vmem>> -> memref<1x128x128xf32, #tpu.memory_space<vmem>>
        %dma_wait3A_593 = tpu.memref_squeeze %dma_wait3A_592 : memref<1x128x128xf32, #tpu.memory_space<vmem>> -> memref<128x128xf32, #tpu.memory_space<vmem>>
        %dma_wait3A_594 = arith.constant 0 : i32
        %dma_wait3A_595 = tpu.memref_slice %arg6[%add3A_588, %dma_wait3A_594] : memref<200704x128xf32, #tpu.memory_space<hbm>> -> memref<128x128xf32, #tpu.memory_space<hbm>>
        %dma_wait3A_596 = arith.constant 0 : i32
        %dma_wait3A_597 = tpu.memref_slice %arg6[%add3A_588, %dma_wait3A_596] : memref<200704x128xf32, #tpu.memory_space<hbm>> -> memref<128x128xf32, #tpu.memory_space<hbm>>
        %dma_wait3A_598 = arith.constant 0 : i32
        %dma_wait3A_599 = arith.constant 0 : i32
        %dma_wait3A_600 = tpu.memref_slice %arg12[%dma_wait3A_589, %dma_wait3A_598, %dma_wait3A_599] : memref<6x128x128xf32, #tpu.memory_space<vmem>> -> memref<1x128x128xf32, #tpu.memory_space<vmem>>
        %dma_wait3A_601 = tpu.memref_squeeze %dma_wait3A_600 : memref<1x128x128xf32, #tpu.memory_space<vmem>> -> memref<128x128xf32, #tpu.memory_space<vmem>>
        tpu.wait_dma2 semaphore(%arg24 : memref<!tpu.dma_semaphore, #tpu.memory_space<semaphore_mem>>) src(%dma_wait3A_601 : memref<128x128xf32, #tpu.memory_space<vmem>>) dst(%dma_wait3A_597 : memref<128x128xf32, #tpu.memory_space<hbm>>)
      } else {
      }
      %add3A_288 = arith.constant 6 : i32
      %add3A_289 = arith.addi %add3A_258, %add3A_288 : i32
      %sub3A = arith.constant 2 : i32
      %sub3A_290 = arith.subi %add3A_289, %sub3A : i32
      %dma_start3A_291 = arith.constant 4 : i32
      %dma_start3A_292 = arith.constant 0 : i32
      %dma_start3A_293 = arith.constant 0 : i32
      %dma_start3A_294 = tpu.memref_slice %arg12[%dma_start3A_291, %dma_start3A_292, %dma_start3A_293] : memref<6x128x128xf32, #tpu.memory_space<vmem>> -> memref<1x128x128xf32, #tpu.memory_space<vmem>>
      %dma_start3A_295 = tpu.memref_squeeze %dma_start3A_294 : memref<1x128x128xf32, #tpu.memory_space<vmem>> -> memref<128x128xf32, #tpu.memory_space<vmem>>
      %dma_start3A_296 = arith.constant 0 : i32
      %dma_start3A_297 = tpu.memref_slice %arg10[%sub3A_290, %dma_start3A_296] : memref<49x128xi32, #tpu.memory_space<vmem>> -> memref<1x128xi32, #tpu.memory_space<vmem>>
      %dma_start3A_298 = tpu.memref_squeeze %dma_start3A_297 : memref<1x128xi32, #tpu.memory_space<vmem>> -> memref<128xi32, #tpu.memory_space<vmem>>
      %dma_start3A_299 = arith.constant 0 : i32
      %dma_start3A_300 = arith.constant 0 : i32
      %dma_start3A_301 = tpu.memref_slice %arg4[%dma_start3A_299, %dma_start3A_300] : memref<100000x128xf32, #tpu.memory_space<hbm>> -> memref<100000x128xf32, #tpu.memory_space<hbm>>
      tpu.enqueue_indirect_dma source(%dma_start3A_301 : memref<100000x128xf32, #tpu.memory_space<hbm>>) target(%dma_start3A_295 : memref<128x128xf32, #tpu.memory_space<vmem>>) offsets(%dma_start3A_298 : memref<128xi32, #tpu.memory_space<vmem>>) semaphore(%arg18 : memref<!tpu.dma_semaphore, #tpu.memory_space<semaphore_mem>>)
      %mul3A_302 = arith.constant 6 : i32
      %mul3A_303 = arith.muli %mul3A_302, %scan3A_254 : i32
      %add3A_304 = arith.constant 1 : i32
      %add3A_305 = arith.addi %mul3A_303, %add3A_304 : i32
      %dma_wait3A_306 = arith.constant 1 : i32
      %dma_wait3A_307 = arith.constant 0 : i32
      %dma_wait3A_308 = arith.constant 0 : i32
      %dma_wait3A_309 = tpu.memref_slice %arg12[%dma_wait3A_306, %dma_wait3A_307, %dma_wait3A_308] : memref<6x128x128xf32, #tpu.memory_space<vmem>> -> memref<1x128x128xf32, #tpu.memory_space<vmem>>
      %dma_wait3A_310 = tpu.memref_squeeze %dma_wait3A_309 : memref<1x128x128xf32, #tpu.memory_space<vmem>> -> memref<128x128xf32, #tpu.memory_space<vmem>>
      %dma_wait3A_311 = arith.constant 0 : i32
      %dma_wait3A_312 = tpu.memref_slice %arg10[%add3A_305, %dma_wait3A_311] : memref<49x128xi32, #tpu.memory_space<vmem>> -> memref<1x128xi32, #tpu.memory_space<vmem>>
      %dma_wait3A_313 = tpu.memref_squeeze %dma_wait3A_312 : memref<1x128xi32, #tpu.memory_space<vmem>> -> memref<128xi32, #tpu.memory_space<vmem>>
      %dma_wait3A_314 = arith.constant 0 : i32
      %dma_wait3A_315 = arith.constant 0 : i32
      %dma_wait3A_316 = tpu.memref_slice %arg4[%dma_wait3A_314, %dma_wait3A_315] : memref<100000x128xf32, #tpu.memory_space<hbm>> -> memref<100000x128xf32, #tpu.memory_space<hbm>>
      tpu.wait_indirect_dma semaphore(%arg15 : memref<!tpu.dma_semaphore, #tpu.memory_space<semaphore_mem>>) src(%dma_wait3A_316 : memref<100000x128xf32, #tpu.memory_space<hbm>>) dst(%dma_wait3A_310 : memref<128x128xf32, #tpu.memory_space<vmem>>)
      %mul3A_317 = arith.constant 4096 : i32
      %mul3A_318 = arith.muli %add3A_305, %mul3A_317 : i32
      %add3A_319 = arith.addi %mul3A_318, %mul3A_2 : i32
      %dma_start3A_320 = arith.constant 1 : i32
      %dma_start3A_321 = arith.constant 0 : i32
      %dma_start3A_322 = arith.constant 0 : i32
      %dma_start3A_323 = tpu.memref_slice %arg12[%dma_start3A_320, %dma_start3A_321, %dma_start3A_322] : memref<6x128x128xf32, #tpu.memory_space<vmem>> -> memref<1x128x128xf32, #tpu.memory_space<vmem>>
      %dma_start3A_324 = tpu.memref_squeeze %dma_start3A_323 : memref<1x128x128xf32, #tpu.memory_space<vmem>> -> memref<128x128xf32, #tpu.memory_space<vmem>>
      %dma_start3A_325 = arith.constant 0 : i32
      %dma_start3A_326 = tpu.memref_slice %arg6[%add3A_319, %dma_start3A_325] : memref<200704x128xf32, #tpu.memory_space<hbm>> -> memref<128x128xf32, #tpu.memory_space<hbm>>
      %dma_start3A_327 = arith.constant 0 : i32
      %dma_start3A_328 = tpu.memref_slice %arg6[%add3A_319, %dma_start3A_327] : memref<200704x128xf32, #tpu.memory_space<hbm>> -> memref<128x128xf32, #tpu.memory_space<hbm>>
      %dma_start3A_329 = arith.constant 0 : i32
      %dma_start3A_330 = arith.constant 0 : i32
      %dma_start3A_331 = tpu.memref_slice %arg12[%dma_start3A_320, %dma_start3A_329, %dma_start3A_330] : memref<6x128x128xf32, #tpu.memory_space<vmem>> -> memref<1x128x128xf32, #tpu.memory_space<vmem>>
      %dma_start3A_332 = tpu.memref_squeeze %dma_start3A_331 : memref<1x128x128xf32, #tpu.memory_space<vmem>> -> memref<128x128xf32, #tpu.memory_space<vmem>>
      tpu.enqueue_dma source(%dma_start3A_332 : memref<128x128xf32, #tpu.memory_space<vmem>>) target(%dma_start3A_328 : memref<128x128xf32, #tpu.memory_space<hbm>>) target_semaphore(%arg21 : memref<!tpu.dma_semaphore, #tpu.memory_space<semaphore_mem>>)
      %ge3A_333 = arith.constant 1 : i32
      %ge3A_334 = arith.cmpi sge, %scan3A_254, %ge3A_333 : i32
      %convert_element_type3A_335 = arith.extui %ge3A_334 : i1 to i32
      %cond3A_336 = arith.constant 0 : i32
      %cond3A_337 = arith.cmpi ne, %convert_element_type3A_335, %cond3A_336 : i32
      scf.if %cond3A_337 {
        %sub3A_584 = arith.constant 2 : i32
        %sub3A_585 = arith.subi %add3A_305, %sub3A_584 : i32
        %mul3A_586 = arith.constant 4096 : i32
        %mul3A_587 = arith.muli %sub3A_585, %mul3A_586 : i32
        %add3A_588 = arith.addi %mul3A_587, %mul3A_2 : i32
        %dma_wait3A_589 = arith.constant 5 : i32
        %dma_wait3A_590 = arith.constant 0 : i32
        %dma_wait3A_591 = arith.constant 0 : i32
        %dma_wait3A_592 = tpu.memref_slice %arg12[%dma_wait3A_589, %dma_wait3A_590, %dma_wait3A_591] : memref<6x128x128xf32, #tpu.memory_space<vmem>> -> memref<1x128x128xf32, #tpu.memory_space<vmem>>
        %dma_wait3A_593 = tpu.memref_squeeze %dma_wait3A_592 : memref<1x128x128xf32, #tpu.memory_space<vmem>> -> memref<128x128xf32, #tpu.memory_space<vmem>>
        %dma_wait3A_594 = arith.constant 0 : i32
        %dma_wait3A_595 = tpu.memref_slice %arg6[%add3A_588, %dma_wait3A_594] : memref<200704x128xf32, #tpu.memory_space<hbm>> -> memref<128x128xf32, #tpu.memory_space<hbm>>
        %dma_wait3A_596 = arith.constant 0 : i32
        %dma_wait3A_597 = tpu.memref_slice %arg6[%add3A_588, %dma_wait3A_596] : memref<200704x128xf32, #tpu.memory_space<hbm>> -> memref<128x128xf32, #tpu.memory_space<hbm>>
        %dma_wait3A_598 = arith.constant 0 : i32
        %dma_wait3A_599 = arith.constant 0 : i32
        %dma_wait3A_600 = tpu.memref_slice %arg12[%dma_wait3A_589, %dma_wait3A_598, %dma_wait3A_599] : memref<6x128x128xf32, #tpu.memory_space<vmem>> -> memref<1x128x128xf32, #tpu.memory_space<vmem>>
        %dma_wait3A_601 = tpu.memref_squeeze %dma_wait3A_600 : memref<1x128x128xf32, #tpu.memory_space<vmem>> -> memref<128x128xf32, #tpu.memory_space<vmem>>
        tpu.wait_dma2 semaphore(%arg25 : memref<!tpu.dma_semaphore, #tpu.memory_space<semaphore_mem>>) src(%dma_wait3A_601 : memref<128x128xf32, #tpu.memory_space<vmem>>) dst(%dma_wait3A_597 : memref<128x128xf32, #tpu.memory_space<hbm>>)
      } else {
      }
      %add3A_338 = arith.constant 6 : i32
      %add3A_339 = arith.addi %add3A_305, %add3A_338 : i32
      %sub3A_340 = arith.constant 2 : i32
      %sub3A_341 = arith.subi %add3A_339, %sub3A_340 : i32
      %dma_start3A_342 = arith.constant 5 : i32
      %dma_start3A_343 = arith.constant 0 : i32
      %dma_start3A_344 = arith.constant 0 : i32
      %dma_start3A_345 = tpu.memref_slice %arg12[%dma_start3A_342, %dma_start3A_343, %dma_start3A_344] : memref<6x128x128xf32, #tpu.memory_space<vmem>> -> memref<1x128x128xf32, #tpu.memory_space<vmem>>
      %dma_start3A_346 = tpu.memref_squeeze %dma_start3A_345 : memref<1x128x128xf32, #tpu.memory_space<vmem>> -> memref<128x128xf32, #tpu.memory_space<vmem>>
      %dma_start3A_347 = arith.constant 0 : i32
      %dma_start3A_348 = tpu.memref_slice %arg10[%sub3A_341, %dma_start3A_347] : memref<49x128xi32, #tpu.memory_space<vmem>> -> memref<1x128xi32, #tpu.memory_space<vmem>>
      %dma_start3A_349 = tpu.memref_squeeze %dma_start3A_348 : memref<1x128xi32, #tpu.memory_space<vmem>> -> memref<128xi32, #tpu.memory_space<vmem>>
      %dma_start3A_350 = arith.constant 0 : i32
      %dma_start3A_351 = arith.constant 0 : i32
      %dma_start3A_352 = tpu.memref_slice %arg4[%dma_start3A_350, %dma_start3A_351] : memref<100000x128xf32, #tpu.memory_space<hbm>> -> memref<100000x128xf32, #tpu.memory_space<hbm>>
      tpu.enqueue_indirect_dma source(%dma_start3A_352 : memref<100000x128xf32, #tpu.memory_space<hbm>>) target(%dma_start3A_346 : memref<128x128xf32, #tpu.memory_space<vmem>>) offsets(%dma_start3A_349 : memref<128xi32, #tpu.memory_space<vmem>>) semaphore(%arg19 : memref<!tpu.dma_semaphore, #tpu.memory_space<semaphore_mem>>)
      %mul3A_353 = arith.constant 6 : i32
      %mul3A_354 = arith.muli %mul3A_353, %scan3A_254 : i32
      %add3A_355 = arith.constant 2 : i32
      %add3A_356 = arith.addi %mul3A_354, %add3A_355 : i32
      %dma_wait3A_357 = arith.constant 2 : i32
      %dma_wait3A_358 = arith.constant 0 : i32
      %dma_wait3A_359 = arith.constant 0 : i32
      %dma_wait3A_360 = tpu.memref_slice %arg12[%dma_wait3A_357, %dma_wait3A_358, %dma_wait3A_359] : memref<6x128x128xf32, #tpu.memory_space<vmem>> -> memref<1x128x128xf32, #tpu.memory_space<vmem>>
      %dma_wait3A_361 = tpu.memref_squeeze %dma_wait3A_360 : memref<1x128x128xf32, #tpu.memory_space<vmem>> -> memref<128x128xf32, #tpu.memory_space<vmem>>
      %dma_wait3A_362 = arith.constant 0 : i32
      %dma_wait3A_363 = tpu.memref_slice %arg10[%add3A_356, %dma_wait3A_362] : memref<49x128xi32, #tpu.memory_space<vmem>> -> memref<1x128xi32, #tpu.memory_space<vmem>>
      %dma_wait3A_364 = tpu.memref_squeeze %dma_wait3A_363 : memref<1x128xi32, #tpu.memory_space<vmem>> -> memref<128xi32, #tpu.memory_space<vmem>>
      %dma_wait3A_365 = arith.constant 0 : i32
      %dma_wait3A_366 = arith.constant 0 : i32
      %dma_wait3A_367 = tpu.memref_slice %arg4[%dma_wait3A_365, %dma_wait3A_366] : memref<100000x128xf32, #tpu.memory_space<hbm>> -> memref<100000x128xf32, #tpu.memory_space<hbm>>
      tpu.wait_indirect_dma semaphore(%arg16 : memref<!tpu.dma_semaphore, #tpu.memory_space<semaphore_mem>>) src(%dma_wait3A_367 : memref<100000x128xf32, #tpu.memory_space<hbm>>) dst(%dma_wait3A_361 : memref<128x128xf32, #tpu.memory_space<vmem>>)
      %mul3A_368 = arith.constant 4096 : i32
      %mul3A_369 = arith.muli %add3A_356, %mul3A_368 : i32
      %add3A_370 = arith.addi %mul3A_369, %mul3A_2 : i32
      %dma_start3A_371 = arith.constant 2 : i32
      %dma_start3A_372 = arith.constant 0 : i32
      %dma_start3A_373 = arith.constant 0 : i32
      %dma_start3A_374 = tpu.memref_slice %arg12[%dma_start3A_371, %dma_start3A_372, %dma_start3A_373] : memref<6x128x128xf32, #tpu.memory_space<vmem>> -> memref<1x128x128xf32, #tpu.memory_space<vmem>>
      %dma_start3A_375 = tpu.memref_squeeze %dma_start3A_374 : memref<1x128x128xf32, #tpu.memory_space<vmem>> -> memref<128x128xf32, #tpu.memory_space<vmem>>
      %dma_start3A_376 = arith.constant 0 : i32
      %dma_start3A_377 = tpu.memref_slice %arg6[%add3A_370, %dma_start3A_376] : memref<200704x128xf32, #tpu.memory_space<hbm>> -> memref<128x128xf32, #tpu.memory_space<hbm>>
      %dma_start3A_378 = arith.constant 0 : i32
      %dma_start3A_379 = tpu.memref_slice %arg6[%add3A_370, %dma_start3A_378] : memref<200704x128xf32, #tpu.memory_space<hbm>> -> memref<128x128xf32, #tpu.memory_space<hbm>>
      %dma_start3A_380 = arith.constant 0 : i32
      %dma_start3A_381 = arith.constant 0 : i32
      %dma_start3A_382 = tpu.memref_slice %arg12[%dma_start3A_371, %dma_start3A_380, %dma_start3A_381] : memref<6x128x128xf32, #tpu.memory_space<vmem>> -> memref<1x128x128xf32, #tpu.memory_space<vmem>>
      %dma_start3A_383 = tpu.memref_squeeze %dma_start3A_382 : memref<1x128x128xf32, #tpu.memory_space<vmem>> -> memref<128x128xf32, #tpu.memory_space<vmem>>
      tpu.enqueue_dma source(%dma_start3A_383 : memref<128x128xf32, #tpu.memory_space<vmem>>) target(%dma_start3A_379 : memref<128x128xf32, #tpu.memory_space<hbm>>) target_semaphore(%arg22 : memref<!tpu.dma_semaphore, #tpu.memory_space<semaphore_mem>>)
      %sub3A_384 = arith.constant 2 : i32
      %sub3A_385 = arith.subi %add3A_356, %sub3A_384 : i32
      %mul3A_386 = arith.constant 4096 : i32
      %mul3A_387 = arith.muli %sub3A_385, %mul3A_386 : i32
      %add3A_388 = arith.addi %mul3A_387, %mul3A_2 : i32
      %dma_wait3A_389 = arith.constant 0 : i32
      %dma_wait3A_390 = arith.constant 0 : i32
      %dma_wait3A_391 = arith.constant 0 : i32
      %dma_wait3A_392 = tpu.memref_slice %arg12[%dma_wait3A_389, %dma_wait3A_390, %dma_wait3A_391] : memref<6x128x128xf32, #tpu.memory_space<vmem>> -> memref<1x128x128xf32, #tpu.memory_space<vmem>>
      %dma_wait3A_393 = tpu.memref_squeeze %dma_wait3A_392 : memref<1x128x128xf32, #tpu.memory_space<vmem>> -> memref<128x128xf32, #tpu.memory_space<vmem>>
      %dma_wait3A_394 = arith.constant 0 : i32
      %dma_wait3A_395 = tpu.memref_slice %arg6[%add3A_388, %dma_wait3A_394] : memref<200704x128xf32, #tpu.memory_space<hbm>> -> memref<128x128xf32, #tpu.memory_space<hbm>>
      %dma_wait3A_396 = arith.constant 0 : i32
      %dma_wait3A_397 = tpu.memref_slice %arg6[%add3A_388, %dma_wait3A_396] : memref<200704x128xf32, #tpu.memory_space<hbm>> -> memref<128x128xf32, #tpu.memory_space<hbm>>
      %dma_wait3A_398 = arith.constant 0 : i32
      %dma_wait3A_399 = arith.constant 0 : i32
      %dma_wait3A_400 = tpu.memref_slice %arg12[%dma_wait3A_389, %dma_wait3A_398, %dma_wait3A_399] : memref<6x128x128xf32, #tpu.memory_space<vmem>> -> memref<1x128x128xf32, #tpu.memory_space<vmem>>
      %dma_wait3A_401 = tpu.memref_squeeze %dma_wait3A_400 : memref<1x128x128xf32, #tpu.memory_space<vmem>> -> memref<128x128xf32, #tpu.memory_space<vmem>>
      tpu.wait_dma2 semaphore(%arg20 : memref<!tpu.dma_semaphore, #tpu.memory_space<semaphore_mem>>) src(%dma_wait3A_401 : memref<128x128xf32, #tpu.memory_space<vmem>>) dst(%dma_wait3A_397 : memref<128x128xf32, #tpu.memory_space<hbm>>)
      %add3A_402 = arith.constant 6 : i32
      %add3A_403 = arith.addi %add3A_356, %add3A_402 : i32
      %sub3A_404 = arith.constant 2 : i32
      %sub3A_405 = arith.subi %add3A_403, %sub3A_404 : i32
      %lt3A = arith.constant 49 : i32
      %lt3A_406 = arith.cmpi slt, %sub3A_405, %lt3A : i32
      %convert_element_type3A_407 = arith.extui %lt3A_406 : i1 to i32
      %cond3A_408 = arith.constant 0 : i32
      %cond3A_409 = arith.cmpi ne, %convert_element_type3A_407, %cond3A_408 : i32
      scf.if %cond3A_409 {
        %add3A_584 = arith.constant 6 : i32
        %add3A_585 = arith.addi %add3A_356, %add3A_584 : i32
        %sub3A_586 = arith.constant 2 : i32
        %sub3A_587 = arith.subi %add3A_585, %sub3A_586 : i32
        %dma_start3A_588 = arith.constant 0 : i32
        %dma_start3A_589 = arith.constant 0 : i32
        %dma_start3A_590 = arith.constant 0 : i32
        %dma_start3A_591 = tpu.memref_slice %arg12[%dma_start3A_588, %dma_start3A_589, %dma_start3A_590] : memref<6x128x128xf32, #tpu.memory_space<vmem>> -> memref<1x128x128xf32, #tpu.memory_space<vmem>>
        %dma_start3A_592 = tpu.memref_squeeze %dma_start3A_591 : memref<1x128x128xf32, #tpu.memory_space<vmem>> -> memref<128x128xf32, #tpu.memory_space<vmem>>
        %dma_start3A_593 = arith.constant 0 : i32
        %dma_start3A_594 = tpu.memref_slice %arg10[%sub3A_587, %dma_start3A_593] : memref<49x128xi32, #tpu.memory_space<vmem>> -> memref<1x128xi32, #tpu.memory_space<vmem>>
        %dma_start3A_595 = tpu.memref_squeeze %dma_start3A_594 : memref<1x128xi32, #tpu.memory_space<vmem>> -> memref<128xi32, #tpu.memory_space<vmem>>
        %dma_start3A_596 = arith.constant 0 : i32
        %dma_start3A_597 = arith.constant 0 : i32
        %dma_start3A_598 = tpu.memref_slice %arg4[%dma_start3A_596, %dma_start3A_597] : memref<100000x128xf32, #tpu.memory_space<hbm>> -> memref<100000x128xf32, #tpu.memory_space<hbm>>
        tpu.enqueue_indirect_dma source(%dma_start3A_598 : memref<100000x128xf32, #tpu.memory_space<hbm>>) target(%dma_start3A_592 : memref<128x128xf32, #tpu.memory_space<vmem>>) offsets(%dma_start3A_595 : memref<128xi32, #tpu.memory_space<vmem>>) semaphore(%arg14 : memref<!tpu.dma_semaphore, #tpu.memory_space<semaphore_mem>>)
      } else {
      }
      %mul3A_410 = arith.constant 6 : i32
      %mul3A_411 = arith.muli %mul3A_410, %scan3A_254 : i32
      %add3A_412 = arith.constant 3 : i32
      %add3A_413 = arith.addi %mul3A_411, %add3A_412 : i32
      %dma_wait3A_414 = arith.constant 3 : i32
      %dma_wait3A_415 = arith.constant 0 : i32
      %dma_wait3A_416 = arith.constant 0 : i32
      %dma_wait3A_417 = tpu.memref_slice %arg12[%dma_wait3A_414, %dma_wait3A_415, %dma_wait3A_416] : memref<6x128x128xf32, #tpu.memory_space<vmem>> -> memref<1x128x128xf32, #tpu.memory_space<vmem>>
      %dma_wait3A_418 = tpu.memref_squeeze %dma_wait3A_417 : memref<1x128x128xf32, #tpu.memory_space<vmem>> -> memref<128x128xf32, #tpu.memory_space<vmem>>
      %dma_wait3A_419 = arith.constant 0 : i32
      %dma_wait3A_420 = tpu.memref_slice %arg10[%add3A_413, %dma_wait3A_419] : memref<49x128xi32, #tpu.memory_space<vmem>> -> memref<1x128xi32, #tpu.memory_space<vmem>>
      %dma_wait3A_421 = tpu.memref_squeeze %dma_wait3A_420 : memref<1x128xi32, #tpu.memory_space<vmem>> -> memref<128xi32, #tpu.memory_space<vmem>>
      %dma_wait3A_422 = arith.constant 0 : i32
      %dma_wait3A_423 = arith.constant 0 : i32
      %dma_wait3A_424 = tpu.memref_slice %arg4[%dma_wait3A_422, %dma_wait3A_423] : memref<100000x128xf32, #tpu.memory_space<hbm>> -> memref<100000x128xf32, #tpu.memory_space<hbm>>
      tpu.wait_indirect_dma semaphore(%arg17 : memref<!tpu.dma_semaphore, #tpu.memory_space<semaphore_mem>>) src(%dma_wait3A_424 : memref<100000x128xf32, #tpu.memory_space<hbm>>) dst(%dma_wait3A_418 : memref<128x128xf32, #tpu.memory_space<vmem>>)
      %mul3A_425 = arith.constant 4096 : i32
      %mul3A_426 = arith.muli %add3A_413, %mul3A_425 : i32
      %add3A_427 = arith.addi %mul3A_426, %mul3A_2 : i32
      %dma_start3A_428 = arith.constant 3 : i32
      %dma_start3A_429 = arith.constant 0 : i32
      %dma_start3A_430 = arith.constant 0 : i32
      %dma_start3A_431 = tpu.memref_slice %arg12[%dma_start3A_428, %dma_start3A_429, %dma_start3A_430] : memref<6x128x128xf32, #tpu.memory_space<vmem>> -> memref<1x128x128xf32, #tpu.memory_space<vmem>>
      %dma_start3A_432 = tpu.memref_squeeze %dma_start3A_431 : memref<1x128x128xf32, #tpu.memory_space<vmem>> -> memref<128x128xf32, #tpu.memory_space<vmem>>
      %dma_start3A_433 = arith.constant 0 : i32
      %dma_start3A_434 = tpu.memref_slice %arg6[%add3A_427, %dma_start3A_433] : memref<200704x128xf32, #tpu.memory_space<hbm>> -> memref<128x128xf32, #tpu.memory_space<hbm>>
      %dma_start3A_435 = arith.constant 0 : i32
      %dma_start3A_436 = tpu.memref_slice %arg6[%add3A_427, %dma_start3A_435] : memref<200704x128xf32, #tpu.memory_space<hbm>> -> memref<128x128xf32, #tpu.memory_space<hbm>>
      %dma_start3A_437 = arith.constant 0 : i32
      %dma_start3A_438 = arith.constant 0 : i32
      %dma_start3A_439 = tpu.memref_slice %arg12[%dma_start3A_428, %dma_start3A_437, %dma_start3A_438] : memref<6x128x128xf32, #tpu.memory_space<vmem>> -> memref<1x128x128xf32, #tpu.memory_space<vmem>>
      %dma_start3A_440 = tpu.memref_squeeze %dma_start3A_439 : memref<1x128x128xf32, #tpu.memory_space<vmem>> -> memref<128x128xf32, #tpu.memory_space<vmem>>
      tpu.enqueue_dma source(%dma_start3A_440 : memref<128x128xf32, #tpu.memory_space<vmem>>) target(%dma_start3A_436 : memref<128x128xf32, #tpu.memory_space<hbm>>) target_semaphore(%arg23 : memref<!tpu.dma_semaphore, #tpu.memory_space<semaphore_mem>>)
      %sub3A_441 = arith.constant 2 : i32
      %sub3A_442 = arith.subi %add3A_413, %sub3A_441 : i32
      %mul3A_443 = arith.constant 4096 : i32
      %mul3A_444 = arith.muli %sub3A_442, %mul3A_443 : i32
      %add3A_445 = arith.addi %mul3A_444, %mul3A_2 : i32
      %dma_wait3A_446 = arith.constant 1 : i32
      %dma_wait3A_447 = arith.constant 0 : i32
      %dma_wait3A_448 = arith.constant 0 : i32
      %dma_wait3A_449 = tpu.memref_slice %arg12[%dma_wait3A_446, %dma_wait3A_447, %dma_wait3A_448] : memref<6x128x128xf32, #tpu.memory_space<vmem>> -> memref<1x128x128xf32, #tpu.memory_space<vmem>>
      %dma_wait3A_450 = tpu.memref_squeeze %dma_wait3A_449 : memref<1x128x128xf32, #tpu.memory_space<vmem>> -> memref<128x128xf32, #tpu.memory_space<vmem>>
      %dma_wait3A_451 = arith.constant 0 : i32
      %dma_wait3A_452 = tpu.memref_slice %arg6[%add3A_445, %dma_wait3A_451] : memref<200704x128xf32, #tpu.memory_space<hbm>> -> memref<128x128xf32, #tpu.memory_space<hbm>>
      %dma_wait3A_453 = arith.constant 0 : i32
      %dma_wait3A_454 = tpu.memref_slice %arg6[%add3A_445, %dma_wait3A_453] : memref<200704x128xf32, #tpu.memory_space<hbm>> -> memref<128x128xf32, #tpu.memory_space<hbm>>
      %dma_wait3A_455 = arith.constant 0 : i32
      %dma_wait3A_456 = arith.constant 0 : i32
      %dma_wait3A_457 = tpu.memref_slice %arg12[%dma_wait3A_446, %dma_wait3A_455, %dma_wait3A_456] : memref<6x128x128xf32, #tpu.memory_space<vmem>> -> memref<1x128x128xf32, #tpu.memory_space<vmem>>
      %dma_wait3A_458 = tpu.memref_squeeze %dma_wait3A_457 : memref<1x128x128xf32, #tpu.memory_space<vmem>> -> memref<128x128xf32, #tpu.memory_space<vmem>>
      tpu.wait_dma2 semaphore(%arg21 : memref<!tpu.dma_semaphore, #tpu.memory_space<semaphore_mem>>) src(%dma_wait3A_458 : memref<128x128xf32, #tpu.memory_space<vmem>>) dst(%dma_wait3A_454 : memref<128x128xf32, #tpu.memory_space<hbm>>)
      %add3A_459 = arith.constant 6 : i32
      %add3A_460 = arith.addi %add3A_413, %add3A_459 : i32
      %sub3A_461 = arith.constant 2 : i32
      %sub3A_462 = arith.subi %add3A_460, %sub3A_461 : i32
      %lt3A_463 = arith.constant 49 : i32
      %lt3A_464 = arith.cmpi slt, %sub3A_462, %lt3A_463 : i32
      %convert_element_type3A_465 = arith.extui %lt3A_464 : i1 to i32
      %cond3A_466 = arith.constant 0 : i32
      %cond3A_467 = arith.cmpi ne, %convert_element_type3A_465, %cond3A_466 : i32
      scf.if %cond3A_467 {
        %add3A_584 = arith.constant 6 : i32
        %add3A_585 = arith.addi %add3A_413, %add3A_584 : i32
        %sub3A_586 = arith.constant 2 : i32
        %sub3A_587 = arith.subi %add3A_585, %sub3A_586 : i32
        %dma_start3A_588 = arith.constant 1 : i32
        %dma_start3A_589 = arith.constant 0 : i32
        %dma_start3A_590 = arith.constant 0 : i32
        %dma_start3A_591 = tpu.memref_slice %arg12[%dma_start3A_588, %dma_start3A_589, %dma_start3A_590] : memref<6x128x128xf32, #tpu.memory_space<vmem>> -> memref<1x128x128xf32, #tpu.memory_space<vmem>>
        %dma_start3A_592 = tpu.memref_squeeze %dma_start3A_591 : memref<1x128x128xf32, #tpu.memory_space<vmem>> -> memref<128x128xf32, #tpu.memory_space<vmem>>
        %dma_start3A_593 = arith.constant 0 : i32
        %dma_start3A_594 = tpu.memref_slice %arg10[%sub3A_587, %dma_start3A_593] : memref<49x128xi32, #tpu.memory_space<vmem>> -> memref<1x128xi32, #tpu.memory_space<vmem>>
        %dma_start3A_595 = tpu.memref_squeeze %dma_start3A_594 : memref<1x128xi32, #tpu.memory_space<vmem>> -> memref<128xi32, #tpu.memory_space<vmem>>
        %dma_start3A_596 = arith.constant 0 : i32
        %dma_start3A_597 = arith.constant 0 : i32
        %dma_start3A_598 = tpu.memref_slice %arg4[%dma_start3A_596, %dma_start3A_597] : memref<100000x128xf32, #tpu.memory_space<hbm>> -> memref<100000x128xf32, #tpu.memory_space<hbm>>
        tpu.enqueue_indirect_dma source(%dma_start3A_598 : memref<100000x128xf32, #tpu.memory_space<hbm>>) target(%dma_start3A_592 : memref<128x128xf32, #tpu.memory_space<vmem>>) offsets(%dma_start3A_595 : memref<128xi32, #tpu.memory_space<vmem>>) semaphore(%arg15 : memref<!tpu.dma_semaphore, #tpu.memory_space<semaphore_mem>>)
      } else {
      }
      %mul3A_468 = arith.constant 6 : i32
      %mul3A_469 = arith.muli %mul3A_468, %scan3A_254 : i32
      %add3A_470 = arith.constant 4 : i32
      %add3A_471 = arith.addi %mul3A_469, %add3A_470 : i32
      %dma_wait3A_472 = arith.constant 4 : i32
      %dma_wait3A_473 = arith.constant 0 : i32
      %dma_wait3A_474 = arith.constant 0 : i32
      %dma_wait3A_475 = tpu.memref_slice %arg12[%dma_wait3A_472, %dma_wait3A_473, %dma_wait3A_474] : memref<6x128x128xf32, #tpu.memory_space<vmem>> -> memref<1x128x128xf32, #tpu.memory_space<vmem>>
      %dma_wait3A_476 = tpu.memref_squeeze %dma_wait3A_475 : memref<1x128x128xf32, #tpu.memory_space<vmem>> -> memref<128x128xf32, #tpu.memory_space<vmem>>
      %dma_wait3A_477 = arith.constant 0 : i32
      %dma_wait3A_478 = tpu.memref_slice %arg10[%add3A_471, %dma_wait3A_477] : memref<49x128xi32, #tpu.memory_space<vmem>> -> memref<1x128xi32, #tpu.memory_space<vmem>>
      %dma_wait3A_479 = tpu.memref_squeeze %dma_wait3A_478 : memref<1x128xi32, #tpu.memory_space<vmem>> -> memref<128xi32, #tpu.memory_space<vmem>>
      %dma_wait3A_480 = arith.constant 0 : i32
      %dma_wait3A_481 = arith.constant 0 : i32
      %dma_wait3A_482 = tpu.memref_slice %arg4[%dma_wait3A_480, %dma_wait3A_481] : memref<100000x128xf32, #tpu.memory_space<hbm>> -> memref<100000x128xf32, #tpu.memory_space<hbm>>
      tpu.wait_indirect_dma semaphore(%arg18 : memref<!tpu.dma_semaphore, #tpu.memory_space<semaphore_mem>>) src(%dma_wait3A_482 : memref<100000x128xf32, #tpu.memory_space<hbm>>) dst(%dma_wait3A_476 : memref<128x128xf32, #tpu.memory_space<vmem>>)
      %mul3A_483 = arith.constant 4096 : i32
      %mul3A_484 = arith.muli %add3A_471, %mul3A_483 : i32
      %add3A_485 = arith.addi %mul3A_484, %mul3A_2 : i32
      %dma_start3A_486 = arith.constant 4 : i32
      %dma_start3A_487 = arith.constant 0 : i32
      %dma_start3A_488 = arith.constant 0 : i32
      %dma_start3A_489 = tpu.memref_slice %arg12[%dma_start3A_486, %dma_start3A_487, %dma_start3A_488] : memref<6x128x128xf32, #tpu.memory_space<vmem>> -> memref<1x128x128xf32, #tpu.memory_space<vmem>>
      %dma_start3A_490 = tpu.memref_squeeze %dma_start3A_489 : memref<1x128x128xf32, #tpu.memory_space<vmem>> -> memref<128x128xf32, #tpu.memory_space<vmem>>
      %dma_start3A_491 = arith.constant 0 : i32
      %dma_start3A_492 = tpu.memref_slice %arg6[%add3A_485, %dma_start3A_491] : memref<200704x128xf32, #tpu.memory_space<hbm>> -> memref<128x128xf32, #tpu.memory_space<hbm>>
      %dma_start3A_493 = arith.constant 0 : i32
      %dma_start3A_494 = tpu.memref_slice %arg6[%add3A_485, %dma_start3A_493] : memref<200704x128xf32, #tpu.memory_space<hbm>> -> memref<128x128xf32, #tpu.memory_space<hbm>>
      %dma_start3A_495 = arith.constant 0 : i32
      %dma_start3A_496 = arith.constant 0 : i32
      %dma_start3A_497 = tpu.memref_slice %arg12[%dma_start3A_486, %dma_start3A_495, %dma_start3A_496] : memref<6x128x128xf32, #tpu.memory_space<vmem>> -> memref<1x128x128xf32, #tpu.memory_space<vmem>>
      %dma_start3A_498 = tpu.memref_squeeze %dma_start3A_497 : memref<1x128x128xf32, #tpu.memory_space<vmem>> -> memref<128x128xf32, #tpu.memory_space<vmem>>
      tpu.enqueue_dma source(%dma_start3A_498 : memref<128x128xf32, #tpu.memory_space<vmem>>) target(%dma_start3A_494 : memref<128x128xf32, #tpu.memory_space<hbm>>) target_semaphore(%arg24 : memref<!tpu.dma_semaphore, #tpu.memory_space<semaphore_mem>>)
      %sub3A_499 = arith.constant 2 : i32
      %sub3A_500 = arith.subi %add3A_471, %sub3A_499 : i32
      %mul3A_501 = arith.constant 4096 : i32
      %mul3A_502 = arith.muli %sub3A_500, %mul3A_501 : i32
      %add3A_503 = arith.addi %mul3A_502, %mul3A_2 : i32
      %dma_wait3A_504 = arith.constant 2 : i32
      %dma_wait3A_505 = arith.constant 0 : i32
      %dma_wait3A_506 = arith.constant 0 : i32
      %dma_wait3A_507 = tpu.memref_slice %arg12[%dma_wait3A_504, %dma_wait3A_505, %dma_wait3A_506] : memref<6x128x128xf32, #tpu.memory_space<vmem>> -> memref<1x128x128xf32, #tpu.memory_space<vmem>>
      %dma_wait3A_508 = tpu.memref_squeeze %dma_wait3A_507 : memref<1x128x128xf32, #tpu.memory_space<vmem>> -> memref<128x128xf32, #tpu.memory_space<vmem>>
      %dma_wait3A_509 = arith.constant 0 : i32
      %dma_wait3A_510 = tpu.memref_slice %arg6[%add3A_503, %dma_wait3A_509] : memref<200704x128xf32, #tpu.memory_space<hbm>> -> memref<128x128xf32, #tpu.memory_space<hbm>>
      %dma_wait3A_511 = arith.constant 0 : i32
      %dma_wait3A_512 = tpu.memref_slice %arg6[%add3A_503, %dma_wait3A_511] : memref<200704x128xf32, #tpu.memory_space<hbm>> -> memref<128x128xf32, #tpu.memory_space<hbm>>
      %dma_wait3A_513 = arith.constant 0 : i32
      %dma_wait3A_514 = arith.constant 0 : i32
      %dma_wait3A_515 = tpu.memref_slice %arg12[%dma_wait3A_504, %dma_wait3A_513, %dma_wait3A_514] : memref<6x128x128xf32, #tpu.memory_space<vmem>> -> memref<1x128x128xf32, #tpu.memory_space<vmem>>
      %dma_wait3A_516 = tpu.memref_squeeze %dma_wait3A_515 : memref<1x128x128xf32, #tpu.memory_space<vmem>> -> memref<128x128xf32, #tpu.memory_space<vmem>>
      tpu.wait_dma2 semaphore(%arg22 : memref<!tpu.dma_semaphore, #tpu.memory_space<semaphore_mem>>) src(%dma_wait3A_516 : memref<128x128xf32, #tpu.memory_space<vmem>>) dst(%dma_wait3A_512 : memref<128x128xf32, #tpu.memory_space<hbm>>)
      %add3A_517 = arith.constant 6 : i32
      %add3A_518 = arith.addi %add3A_471, %add3A_517 : i32
      %sub3A_519 = arith.constant 2 : i32
      %sub3A_520 = arith.subi %add3A_518, %sub3A_519 : i32
      %lt3A_521 = arith.constant 49 : i32
      %lt3A_522 = arith.cmpi slt, %sub3A_520, %lt3A_521 : i32
      %convert_element_type3A_523 = arith.extui %lt3A_522 : i1 to i32
      %cond3A_524 = arith.constant 0 : i32
      %cond3A_525 = arith.cmpi ne, %convert_element_type3A_523, %cond3A_524 : i32
      scf.if %cond3A_525 {
        %add3A_584 = arith.constant 6 : i32
        %add3A_585 = arith.addi %add3A_471, %add3A_584 : i32
        %sub3A_586 = arith.constant 2 : i32
        %sub3A_587 = arith.subi %add3A_585, %sub3A_586 : i32
        %dma_start3A_588 = arith.constant 2 : i32
        %dma_start3A_589 = arith.constant 0 : i32
        %dma_start3A_590 = arith.constant 0 : i32
        %dma_start3A_591 = tpu.memref_slice %arg12[%dma_start3A_588, %dma_start3A_589, %dma_start3A_590] : memref<6x128x128xf32, #tpu.memory_space<vmem>> -> memref<1x128x128xf32, #tpu.memory_space<vmem>>
        %dma_start3A_592 = tpu.memref_squeeze %dma_start3A_591 : memref<1x128x128xf32, #tpu.memory_space<vmem>> -> memref<128x128xf32, #tpu.memory_space<vmem>>
        %dma_start3A_593 = arith.constant 0 : i32
        %dma_start3A_594 = tpu.memref_slice %arg10[%sub3A_587, %dma_start3A_593] : memref<49x128xi32, #tpu.memory_space<vmem>> -> memref<1x128xi32, #tpu.memory_space<vmem>>
        %dma_start3A_595 = tpu.memref_squeeze %dma_start3A_594 : memref<1x128xi32, #tpu.memory_space<vmem>> -> memref<128xi32, #tpu.memory_space<vmem>>
        %dma_start3A_596 = arith.constant 0 : i32
        %dma_start3A_597 = arith.constant 0 : i32
        %dma_start3A_598 = tpu.memref_slice %arg4[%dma_start3A_596, %dma_start3A_597] : memref<100000x128xf32, #tpu.memory_space<hbm>> -> memref<100000x128xf32, #tpu.memory_space<hbm>>
        tpu.enqueue_indirect_dma source(%dma_start3A_598 : memref<100000x128xf32, #tpu.memory_space<hbm>>) target(%dma_start3A_592 : memref<128x128xf32, #tpu.memory_space<vmem>>) offsets(%dma_start3A_595 : memref<128xi32, #tpu.memory_space<vmem>>) semaphore(%arg16 : memref<!tpu.dma_semaphore, #tpu.memory_space<semaphore_mem>>)
      } else {
      }
      %mul3A_526 = arith.constant 6 : i32
      %mul3A_527 = arith.muli %mul3A_526, %scan3A_254 : i32
      %add3A_528 = arith.constant 5 : i32
      %add3A_529 = arith.addi %mul3A_527, %add3A_528 : i32
      %dma_wait3A_530 = arith.constant 5 : i32
      %dma_wait3A_531 = arith.constant 0 : i32
      %dma_wait3A_532 = arith.constant 0 : i32
      %dma_wait3A_533 = tpu.memref_slice %arg12[%dma_wait3A_530, %dma_wait3A_531, %dma_wait3A_532] : memref<6x128x128xf32, #tpu.memory_space<vmem>> -> memref<1x128x128xf32, #tpu.memory_space<vmem>>
      %dma_wait3A_534 = tpu.memref_squeeze %dma_wait3A_533 : memref<1x128x128xf32, #tpu.memory_space<vmem>> -> memref<128x128xf32, #tpu.memory_space<vmem>>
      %dma_wait3A_535 = arith.constant 0 : i32
      %dma_wait3A_536 = tpu.memref_slice %arg10[%add3A_529, %dma_wait3A_535] : memref<49x128xi32, #tpu.memory_space<vmem>> -> memref<1x128xi32, #tpu.memory_space<vmem>>
      %dma_wait3A_537 = tpu.memref_squeeze %dma_wait3A_536 : memref<1x128xi32, #tpu.memory_space<vmem>> -> memref<128xi32, #tpu.memory_space<vmem>>
      %dma_wait3A_538 = arith.constant 0 : i32
      %dma_wait3A_539 = arith.constant 0 : i32
      %dma_wait3A_540 = tpu.memref_slice %arg4[%dma_wait3A_538, %dma_wait3A_539] : memref<100000x128xf32, #tpu.memory_space<hbm>> -> memref<100000x128xf32, #tpu.memory_space<hbm>>
      tpu.wait_indirect_dma semaphore(%arg19 : memref<!tpu.dma_semaphore, #tpu.memory_space<semaphore_mem>>) src(%dma_wait3A_540 : memref<100000x128xf32, #tpu.memory_space<hbm>>) dst(%dma_wait3A_534 : memref<128x128xf32, #tpu.memory_space<vmem>>)
      %mul3A_541 = arith.constant 4096 : i32
      %mul3A_542 = arith.muli %add3A_529, %mul3A_541 : i32
      %add3A_543 = arith.addi %mul3A_542, %mul3A_2 : i32
      %dma_start3A_544 = arith.constant 5 : i32
      %dma_start3A_545 = arith.constant 0 : i32
      %dma_start3A_546 = arith.constant 0 : i32
      %dma_start3A_547 = tpu.memref_slice %arg12[%dma_start3A_544, %dma_start3A_545, %dma_start3A_546] : memref<6x128x128xf32, #tpu.memory_space<vmem>> -> memref<1x128x128xf32, #tpu.memory_space<vmem>>
      %dma_start3A_548 = tpu.memref_squeeze %dma_start3A_547 : memref<1x128x128xf32, #tpu.memory_space<vmem>> -> memref<128x128xf32, #tpu.memory_space<vmem>>
      %dma_start3A_549 = arith.constant 0 : i32
      %dma_start3A_550 = tpu.memref_slice %arg6[%add3A_543, %dma_start3A_549] : memref<200704x128xf32, #tpu.memory_space<hbm>> -> memref<128x128xf32, #tpu.memory_space<hbm>>
      %dma_start3A_551 = arith.constant 0 : i32
      %dma_start3A_552 = tpu.memref_slice %arg6[%add3A_543, %dma_start3A_551] : memref<200704x128xf32, #tpu.memory_space<hbm>> -> memref<128x128xf32, #tpu.memory_space<hbm>>
      %dma_start3A_553 = arith.constant 0 : i32
      %dma_start3A_554 = arith.constant 0 : i32
      %dma_start3A_555 = tpu.memref_slice %arg12[%dma_start3A_544, %dma_start3A_553, %dma_start3A_554] : memref<6x128x128xf32, #tpu.memory_space<vmem>> -> memref<1x128x128xf32, #tpu.memory_space<vmem>>
      %dma_start3A_556 = tpu.memref_squeeze %dma_start3A_555 : memref<1x128x128xf32, #tpu.memory_space<vmem>> -> memref<128x128xf32, #tpu.memory_space<vmem>>
      tpu.enqueue_dma source(%dma_start3A_556 : memref<128x128xf32, #tpu.memory_space<vmem>>) target(%dma_start3A_552 : memref<128x128xf32, #tpu.memory_space<hbm>>) target_semaphore(%arg25 : memref<!tpu.dma_semaphore, #tpu.memory_space<semaphore_mem>>)
      %sub3A_557 = arith.constant 2 : i32
      %sub3A_558 = arith.subi %add3A_529, %sub3A_557 : i32
      %mul3A_559 = arith.constant 4096 : i32
      %mul3A_560 = arith.muli %sub3A_558, %mul3A_559 : i32
      %add3A_561 = arith.addi %mul3A_560, %mul3A_2 : i32
      %dma_wait3A_562 = arith.constant 3 : i32
      %dma_wait3A_563 = arith.constant 0 : i32
      %dma_wait3A_564 = arith.constant 0 : i32
      %dma_wait3A_565 = tpu.memref_slice %arg12[%dma_wait3A_562, %dma_wait3A_563, %dma_wait3A_564] : memref<6x128x128xf32, #tpu.memory_space<vmem>> -> memref<1x128x128xf32, #tpu.memory_space<vmem>>
      %dma_wait3A_566 = tpu.memref_squeeze %dma_wait3A_565 : memref<1x128x128xf32, #tpu.memory_space<vmem>> -> memref<128x128xf32, #tpu.memory_space<vmem>>
      %dma_wait3A_567 = arith.constant 0 : i32
      %dma_wait3A_568 = tpu.memref_slice %arg6[%add3A_561, %dma_wait3A_567] : memref<200704x128xf32, #tpu.memory_space<hbm>> -> memref<128x128xf32, #tpu.memory_space<hbm>>
      %dma_wait3A_569 = arith.constant 0 : i32
      %dma_wait3A_570 = tpu.memref_slice %arg6[%add3A_561, %dma_wait3A_569] : memref<200704x128xf32, #tpu.memory_space<hbm>> -> memref<128x128xf32, #tpu.memory_space<hbm>>
      %dma_wait3A_571 = arith.constant 0 : i32
      %dma_wait3A_572 = arith.constant 0 : i32
      %dma_wait3A_573 = tpu.memref_slice %arg12[%dma_wait3A_562, %dma_wait3A_571, %dma_wait3A_572] : memref<6x128x128xf32, #tpu.memory_space<vmem>> -> memref<1x128x128xf32, #tpu.memory_space<vmem>>
      %dma_wait3A_574 = tpu.memref_squeeze %dma_wait3A_573 : memref<1x128x128xf32, #tpu.memory_space<vmem>> -> memref<128x128xf32, #tpu.memory_space<vmem>>
      tpu.wait_dma2 semaphore(%arg23 : memref<!tpu.dma_semaphore, #tpu.memory_space<semaphore_mem>>) src(%dma_wait3A_574 : memref<128x128xf32, #tpu.memory_space<vmem>>) dst(%dma_wait3A_570 : memref<128x128xf32, #tpu.memory_space<hbm>>)
      %add3A_575 = arith.constant 6 : i32
      %add3A_576 = arith.addi %add3A_529, %add3A_575 : i32
      %sub3A_577 = arith.constant 2 : i32
      %sub3A_578 = arith.subi %add3A_576, %sub3A_577 : i32
      %lt3A_579 = arith.constant 49 : i32
      %lt3A_580 = arith.cmpi slt, %sub3A_578, %lt3A_579 : i32
      %convert_element_type3A_581 = arith.extui %lt3A_580 : i1 to i32
      %cond3A_582 = arith.constant 0 : i32
      %cond3A_583 = arith.cmpi ne, %convert_element_type3A_581, %cond3A_582 : i32
      scf.if %cond3A_583 {
        %add3A_584 = arith.constant 6 : i32
        %add3A_585 = arith.addi %add3A_529, %add3A_584 : i32
        %sub3A_586 = arith.constant 2 : i32
        %sub3A_587 = arith.subi %add3A_585, %sub3A_586 : i32
        %dma_start3A_588 = arith.constant 3 : i32
        %dma_start3A_589 = arith.constant 0 : i32
        %dma_start3A_590 = arith.constant 0 : i32
        %dma_start3A_591 = tpu.memref_slice %arg12[%dma_start3A_588, %dma_start3A_589, %dma_start3A_590] : memref<6x128x128xf32, #tpu.memory_space<vmem>> -> memref<1x128x128xf32, #tpu.memory_space<vmem>>
        %dma_start3A_592 = tpu.memref_squeeze %dma_start3A_591 : memref<1x128x128xf32, #tpu.memory_space<vmem>> -> memref<128x128xf32, #tpu.memory_space<vmem>>
        %dma_start3A_593 = arith.constant 0 : i32
        %dma_start3A_594 = tpu.memref_slice %arg10[%sub3A_587, %dma_start3A_593] : memref<49x128xi32, #tpu.memory_space<vmem>> -> memref<1x128xi32, #tpu.memory_space<vmem>>
        %dma_start3A_595 = tpu.memref_squeeze %dma_start3A_594 : memref<1x128xi32, #tpu.memory_space<vmem>> -> memref<128xi32, #tpu.memory_space<vmem>>
        %dma_start3A_596 = arith.constant 0 : i32
        %dma_start3A_597 = arith.constant 0 : i32
        %dma_start3A_598 = tpu.memref_slice %arg4[%dma_start3A_596, %dma_start3A_597] : memref<100000x128xf32, #tpu.memory_space<hbm>> -> memref<100000x128xf32, #tpu.memory_space<hbm>>
        tpu.enqueue_indirect_dma source(%dma_start3A_598 : memref<100000x128xf32, #tpu.memory_space<hbm>>) target(%dma_start3A_592 : memref<128x128xf32, #tpu.memory_space<vmem>>) offsets(%dma_start3A_595 : memref<128xi32, #tpu.memory_space<vmem>>) semaphore(%arg17 : memref<!tpu.dma_semaphore, #tpu.memory_space<semaphore_mem>>)
      } else {
      }
    }
    %scan3A_179 = arith.constant 8 : i32
    %add3A_180 = arith.constant 188416 : i32
    %add3A_181 = arith.addi %add3A_180, %mul3A_2 : i32
    %dma_wait3A = arith.constant 4 : i32
    %dma_wait3A_182 = arith.constant 0 : i32
    %dma_wait3A_183 = arith.constant 0 : i32
    %dma_wait3A_184 = tpu.memref_slice %arg12[%dma_wait3A, %dma_wait3A_182, %dma_wait3A_183] : memref<6x128x128xf32, #tpu.memory_space<vmem>> -> memref<1x128x128xf32, #tpu.memory_space<vmem>>
    %dma_wait3A_185 = tpu.memref_squeeze %dma_wait3A_184 : memref<1x128x128xf32, #tpu.memory_space<vmem>> -> memref<128x128xf32, #tpu.memory_space<vmem>>
    %dma_wait3A_186 = arith.constant 0 : i32
    %dma_wait3A_187 = tpu.memref_slice %arg6[%add3A_181, %dma_wait3A_186] : memref<200704x128xf32, #tpu.memory_space<hbm>> -> memref<128x128xf32, #tpu.memory_space<hbm>>
    %dma_wait3A_188 = arith.constant 0 : i32
    %dma_wait3A_189 = tpu.memref_slice %arg6[%add3A_181, %dma_wait3A_188] : memref<200704x128xf32, #tpu.memory_space<hbm>> -> memref<128x128xf32, #tpu.memory_space<hbm>>
    %dma_wait3A_190 = arith.constant 0 : i32
    %dma_wait3A_191 = arith.constant 0 : i32
    %dma_wait3A_192 = tpu.memref_slice %arg12[%dma_wait3A, %dma_wait3A_190, %dma_wait3A_191] : memref<6x128x128xf32, #tpu.memory_space<vmem>> -> memref<1x128x128xf32, #tpu.memory_space<vmem>>
    %dma_wait3A_193 = tpu.memref_squeeze %dma_wait3A_192 : memref<1x128x128xf32, #tpu.memory_space<vmem>> -> memref<128x128xf32, #tpu.memory_space<vmem>>
    tpu.wait_dma2 semaphore(%arg24 : memref<!tpu.dma_semaphore, #tpu.memory_space<semaphore_mem>>) src(%dma_wait3A_193 : memref<128x128xf32, #tpu.memory_space<vmem>>) dst(%dma_wait3A_189 : memref<128x128xf32, #tpu.memory_space<hbm>>)
    %add3A_194 = arith.constant 192512 : i32
    %add3A_195 = arith.addi %add3A_194, %mul3A_2 : i32
    %dma_wait3A_196 = arith.constant 5 : i32
    %dma_wait3A_197 = arith.constant 0 : i32
    %dma_wait3A_198 = arith.constant 0 : i32
    %dma_wait3A_199 = tpu.memref_slice %arg12[%dma_wait3A_196, %dma_wait3A_197, %dma_wait3A_198] : memref<6x128x128xf32, #tpu.memory_space<vmem>> -> memref<1x128x128xf32, #tpu.memory_space<vmem>>
    %dma_wait3A_200 = tpu.memref_squeeze %dma_wait3A_199 : memref<1x128x128xf32, #tpu.memory_space<vmem>> -> memref<128x128xf32, #tpu.memory_space<vmem>>
    %dma_wait3A_201 = arith.constant 0 : i32
    %dma_wait3A_202 = tpu.memref_slice %arg6[%add3A_195, %dma_wait3A_201] : memref<200704x128xf32, #tpu.memory_space<hbm>> -> memref<128x128xf32, #tpu.memory_space<hbm>>
    %dma_wait3A_203 = arith.constant 0 : i32
    %dma_wait3A_204 = tpu.memref_slice %arg6[%add3A_195, %dma_wait3A_203] : memref<200704x128xf32, #tpu.memory_space<hbm>> -> memref<128x128xf32, #tpu.memory_space<hbm>>
    %dma_wait3A_205 = arith.constant 0 : i32
    %dma_wait3A_206 = arith.constant 0 : i32
    %dma_wait3A_207 = tpu.memref_slice %arg12[%dma_wait3A_196, %dma_wait3A_205, %dma_wait3A_206] : memref<6x128x128xf32, #tpu.memory_space<vmem>> -> memref<1x128x128xf32, #tpu.memory_space<vmem>>
    %dma_wait3A_208 = tpu.memref_squeeze %dma_wait3A_207 : memref<1x128x128xf32, #tpu.memory_space<vmem>> -> memref<128x128xf32, #tpu.memory_space<vmem>>
    tpu.wait_dma2 semaphore(%arg25 : memref<!tpu.dma_semaphore, #tpu.memory_space<semaphore_mem>>) src(%dma_wait3A_208 : memref<128x128xf32, #tpu.memory_space<vmem>>) dst(%dma_wait3A_204 : memref<128x128xf32, #tpu.memory_space<hbm>>)
    %dma_wait3A_209 = arith.constant 48 : i32
    %dma_wait3A_210 = arith.constant 0 : i32
    %dma_wait3A_211 = arith.constant 0 : i32
    %dma_wait3A_212 = arith.constant 0 : i32
    %dma_wait3A_213 = tpu.memref_slice %arg12[%dma_wait3A_210, %dma_wait3A_211, %dma_wait3A_212] : memref<6x128x128xf32, #tpu.memory_space<vmem>> -> memref<1x128x128xf32, #tpu.memory_space<vmem>>
    %dma_wait3A_214 = tpu.memref_squeeze %dma_wait3A_213 : memref<1x128x128xf32, #tpu.memory_space<vmem>> -> memref<128x128xf32, #tpu.memory_space<vmem>>
    %dma_wait3A_215 = arith.constant 0 : i32
    %dma_wait3A_216 = tpu.memref_slice %arg10[%dma_wait3A_209, %dma_wait3A_215] : memref<49x128xi32, #tpu.memory_space<vmem>> -> memref<1x128xi32, #tpu.memory_space<vmem>>
    %dma_wait3A_217 = tpu.memref_squeeze %dma_wait3A_216 : memref<1x128xi32, #tpu.memory_space<vmem>> -> memref<128xi32, #tpu.memory_space<vmem>>
    %dma_wait3A_218 = arith.constant 0 : i32
    %dma_wait3A_219 = arith.constant 0 : i32
    %dma_wait3A_220 = tpu.memref_slice %arg4[%dma_wait3A_218, %dma_wait3A_219] : memref<100000x128xf32, #tpu.memory_space<hbm>> -> memref<100000x128xf32, #tpu.memory_space<hbm>>
    tpu.wait_indirect_dma semaphore(%arg14 : memref<!tpu.dma_semaphore, #tpu.memory_space<semaphore_mem>>) src(%dma_wait3A_220 : memref<100000x128xf32, #tpu.memory_space<hbm>>) dst(%dma_wait3A_214 : memref<128x128xf32, #tpu.memory_space<vmem>>)
    %add3A_221 = arith.constant 196608 : i32
    %add3A_222 = arith.addi %add3A_221, %mul3A_2 : i32
    %dma_start3A_223 = arith.constant 0 : i32
    %dma_start3A_224 = arith.constant 0 : i32
    %dma_start3A_225 = arith.constant 0 : i32
    %dma_start3A_226 = tpu.memref_slice %arg12[%dma_start3A_223, %dma_start3A_224, %dma_start3A_225] : memref<6x128x128xf32, #tpu.memory_space<vmem>> -> memref<1x128x128xf32, #tpu.memory_space<vmem>>
    %dma_start3A_227 = tpu.memref_squeeze %dma_start3A_226 : memref<1x128x128xf32, #tpu.memory_space<vmem>> -> memref<128x128xf32, #tpu.memory_space<vmem>>
    %dma_start3A_228 = arith.constant 0 : i32
    %dma_start3A_229 = tpu.memref_slice %arg6[%add3A_222, %dma_start3A_228] : memref<200704x128xf32, #tpu.memory_space<hbm>> -> memref<128x128xf32, #tpu.memory_space<hbm>>
    %dma_start3A_230 = arith.constant 0 : i32
    %dma_start3A_231 = tpu.memref_slice %arg6[%add3A_222, %dma_start3A_230] : memref<200704x128xf32, #tpu.memory_space<hbm>> -> memref<128x128xf32, #tpu.memory_space<hbm>>
    %dma_start3A_232 = arith.constant 0 : i32
    %dma_start3A_233 = arith.constant 0 : i32
    %dma_start3A_234 = tpu.memref_slice %arg12[%dma_start3A_223, %dma_start3A_232, %dma_start3A_233] : memref<6x128x128xf32, #tpu.memory_space<vmem>> -> memref<1x128x128xf32, #tpu.memory_space<vmem>>
    %dma_start3A_235 = tpu.memref_squeeze %dma_start3A_234 : memref<1x128x128xf32, #tpu.memory_space<vmem>> -> memref<128x128xf32, #tpu.memory_space<vmem>>
    tpu.enqueue_dma source(%dma_start3A_235 : memref<128x128xf32, #tpu.memory_space<vmem>>) target(%dma_start3A_231 : memref<128x128xf32, #tpu.memory_space<hbm>>) target_semaphore(%arg20 : memref<!tpu.dma_semaphore, #tpu.memory_space<semaphore_mem>>)
    %dma_wait3A_236 = arith.constant 0 : i32
    %dma_wait3A_237 = arith.constant 0 : i32
    %dma_wait3A_238 = tpu.memref_slice %arg4[%dma_wait3A_236, %dma_wait3A_237] : memref<100000x128xf32, #tpu.memory_space<hbm>> -> memref<100000x128xf32, #tpu.memory_space<hbm>>
    tpu.wait_indirect_dma semaphore(%arg13 : memref<!tpu.dma_semaphore, #tpu.memory_space<semaphore_mem>>) src(%dma_wait3A_238 : memref<100000x128xf32, #tpu.memory_space<hbm>>) dst(%arg11 : memref<128x128xf32, #tpu.memory_space<vmem>>)
    "tpu.region"() ({
      %run_scoped3A = tpu.sem_alloc : memref<!tpu.dma_semaphore, #tpu.memory_space<semaphore_mem>>
      %dma_start3A_254 = arith.constant 0 : i32
      %dma_start3A_255 = tpu.memref_slice %arg5[%mul3A_2, %dma_start3A_254] : memref<4096x128xf32, #tpu.memory_space<hbm>> -> memref<128x128xf32, #tpu.memory_space<hbm>>
      %dma_start3A_256 = arith.constant 0 : i32
      %dma_start3A_257 = tpu.memref_slice %arg5[%mul3A_2, %dma_start3A_256] : memref<4096x128xf32, #tpu.memory_space<hbm>> -> memref<128x128xf32, #tpu.memory_space<hbm>>
      tpu.enqueue_dma source(%arg11 : memref<128x128xf32, #tpu.memory_space<vmem>>) target(%dma_start3A_257 : memref<128x128xf32, #tpu.memory_space<hbm>>) target_semaphore(%run_scoped3A : memref<!tpu.dma_semaphore, #tpu.memory_space<semaphore_mem>>)
      %dma_wait3A_258 = arith.constant 0 : i32
      %dma_wait3A_259 = tpu.memref_slice %arg5[%mul3A_2, %dma_wait3A_258] : memref<4096x128xf32, #tpu.memory_space<hbm>> -> memref<128x128xf32, #tpu.memory_space<hbm>>
      %dma_wait3A_260 = arith.constant 0 : i32
      %dma_wait3A_261 = tpu.memref_slice %arg5[%mul3A_2, %dma_wait3A_260] : memref<4096x128xf32, #tpu.memory_space<hbm>> -> memref<128x128xf32, #tpu.memory_space<hbm>>
      tpu.wait_dma2 semaphore(%run_scoped3A : memref<!tpu.dma_semaphore, #tpu.memory_space<semaphore_mem>>) src(%arg11 : memref<128x128xf32, #tpu.memory_space<vmem>>) dst(%dma_wait3A_261 : memref<128x128xf32, #tpu.memory_space<hbm>>)
      tpu.yield
    }) : () -> ()
    %add3A_239 = arith.constant 196608 : i32
    %add3A_240 = arith.addi %add3A_239, %mul3A_2 : i32
    %dma_wait3A_241 = arith.constant 0 : i32
    %dma_wait3A_242 = arith.constant 0 : i32
    %dma_wait3A_243 = arith.constant 0 : i32
    %dma_wait3A_244 = tpu.memref_slice %arg12[%dma_wait3A_241, %dma_wait3A_242, %dma_wait3A_243] : memref<6x128x128xf32, #tpu.memory_space<vmem>> -> memref<1x128x128xf32, #tpu.memory_space<vmem>>
    %dma_wait3A_245 = tpu.memref_squeeze %dma_wait3A_244 : memref<1x128x128xf32, #tpu.memory_space<vmem>> -> memref<128x128xf32, #tpu.memory_space<vmem>>
    %dma_wait3A_246 = arith.constant 0 : i32
    %dma_wait3A_247 = tpu.memref_slice %arg6[%add3A_240, %dma_wait3A_246] : memref<200704x128xf32, #tpu.memory_space<hbm>> -> memref<128x128xf32, #tpu.memory_space<hbm>>
    %dma_wait3A_248 = arith.constant 0 : i32
    %dma_wait3A_249 = tpu.memref_slice %arg6[%add3A_240, %dma_wait3A_248] : memref<200704x128xf32, #tpu.memory_space<hbm>> -> memref<128x128xf32, #tpu.memory_space<hbm>>
    %dma_wait3A_250 = arith.constant 0 : i32
    %dma_wait3A_251 = arith.constant 0 : i32
    %dma_wait3A_252 = tpu.memref_slice %arg12[%dma_wait3A_241, %dma_wait3A_250, %dma_wait3A_251] : memref<6x128x128xf32, #tpu.memory_space<vmem>> -> memref<1x128x128xf32, #tpu.memory_space<vmem>>
    %dma_wait3A_253 = tpu.memref_squeeze %dma_wait3A_252 : memref<1x128x128xf32, #tpu.memory_space<vmem>> -> memref<128x128xf32, #tpu.memory_space<vmem>>
    tpu.wait_dma2 semaphore(%arg20 : memref<!tpu.dma_semaphore, #tpu.memory_space<semaphore_mem>>) src(%dma_wait3A_253 : memref<128x128xf32, #tpu.memory_space<vmem>>) dst(%dma_wait3A_249 : memref<128x128xf32, #tpu.memory_space<hbm>>)
    return
  }
}

</mosaic_0001>

<sc_bundles>
// kernel: kernel.3.cloned.1.call-start
scs
__scs_entry_jumppad:
0x0: {  	(pc) =	sbr.rel $0x88, $3  }
0x1: {  	(tag) =	ssettag $0x0;
	lr =	simm.s32 $0x1  }
0x2: {  	[smem:$0x3F9E] =	sst lr;
	_ =	strace $0xD0000000  }
0x3: {  	_ = 	snop  }
0x4: {  	_ = 	snop  }
0x5: {  	_ = 	snop  }
0x6: {  	_ = 	snop  }
0x7: {  	_ = 	snop  }
__scs_overlays_trampoline_lowered:
0x8: {  	[smem:$0x3FAD] =	sst s0  }
0x9: {  	[smem:$0x3FAE] =	sst s1  }
0xa: {  	[smem:$0x3FAF] =	sst s2  }
0xb: {  	[smem:$0x3FB0] =	sst s3  }
0xc: {  	[smem:$0x3FB1] =	sst s4  }
0xd: {  	[smem:$0x3FB2] =	sst s5  }
0xe: {  	[smem:$0x3FB3] =	sst s6  }
0xf: {  	[smem:$0x3FB4] =	sst s7  }
0x10: {  	[smem:$0x3FB5] =	sst s8  }
0x11: {  	[smem:$0x3FB6] =	sst s9;
	s0 =	simm.s32 @!p0 $0x0  }
0x12: {  	s1 =	sld [smem:$0x3F9C];
	s0 =	simm.s32 @p0 $0x1  }
0x13: {  	[smem:$0x3FB7] =	sst s0;
	s0 =	simm.s32 @!p1 $0x0  }
0x14: {  	s2 =	sld [smem:$0x3F9B];
	s0 =	simm.s32 @p1 $0x1  }
0x15: {  	[smem:$0x3FB8] =	sst s0;
	s0 =	simm.s32 @!p2 $0x0  }
0x16: {  	s3 =	sld [smem:$0x3FDB];
	s0 =	simm.s32 @p2 $0x1  }
0x17: {  	s4 =	simm.s32 $0x1BF5;
	[smem:$0x3FBA] =	sst s0  }
0x18: {  	s0 =	sld [smem:$0x3F9D];
	_ =	swait.ge [sflag:s4], $0x0  }
0x19: {  	s7 =	sld [smem:$0x3F9E]  }
0x1a: {  	s8 =	sadd.s32 $0xFFFFE003, lr  }
0x1b: {  	s9 =	sadd.s32 $0xFFFFFEF7, lr;
	s5 =	simm.s32 $0xFFFFFFFF;
	p2 =	slt.u32 s8, $0xFFFFF086  }
0x1c: {  	p1 =	slt.u32 s9, $0xF7A;
	s5 =	simm.s32 @!p2 $0x0  }
0x1d: {  	s5 =	simm.s32 @p1 $0x1;
	p0 =	seq.s32 s7, s2  }
0x1e: {  	s7 =	smul.u32 @!p0 $0xF7A, s2;
	p2 =	seq.s32 @!p0 s5, $0x0  }
0x1f: {  	s9 =	smul.u32 $0xF7A, s1;
	s8 =	simm.s32 @!p0 $0x1BF5;
	p2 =	por !p2, p0  }
0x20: {  	[sflag:s8] =	ssyncset.s32 @!p0 $0xFFFFF086;
	s6 =	sadd.s32 @!p0 s3, s7;
	s7 =	simm.s32 @!p0 $0x108  }
0x21: {  	s3 =	sadd.s32 s3, s9;
	s6 =	sadd.s32 @!p0 $0x88, s6;
	s7 =	simm.s32 @p2 $0x1082  }
0x22: {  	[simem:s7], [sflag:s8] =	dma.local @!p0 [hbm:s6], $0xF7A  }
0x23: {  	s9 =	sor.u32 $0xD0000000, s2;
	s6 =	simm.s32 $0x108;
	_ =	swait.ge @!p0 [sflag:s8], $0x0  }
0x24: {  	s3 =	sadd.s32 $0x88, s3;
	s6 =	simm.s32 @!p1 $0x1082;
	[sflag:s4] =	ssyncset.s32 $0xFFFFF086  }
0x25: {  	[simem:s6], [sflag:s4] =	dma.local [hbm:s3], $0xF7A  }
0x26: {  	[smem:$0x3F9E] =	sst s1;
	(tag) =	ssettag s2;
	_ =	strace s9  }
0x27: {  	s1 =	sld [smem:$0x3FAE]  }
0x28: {  	s2 =	sld [smem:$0x3FAF]  }
0x29: {  	s4 =	sld [smem:$0x3FB1]  }
0x2a: {  	p0 =	seq.s32 s5, $0x0;
	s5 =	sld [smem:$0x3FB2]  }
0x2b: {  	s6 =	sld [smem:$0x3FB3]  }
0x2c: {  	s7 =	sld [smem:$0x3FB4]  }
0x2d: {  	s3 =	simm.s32 $0x108;
	s8 =	sld [smem:$0x3FB5]  }
0x2e: {  	s3 =	simm.s32 @!p0 $0x1082;
	s9 =	sld [smem:$0x3FB6]  }
0x2f: {  	lr =	sadd.s32 s0, s3;
	s0 =	sld [smem:$0x3FAD]  }
0x30: {  	s3 =	sld [smem:$0x3FB0]  }
0x31: {  	[smem:$0x3FB9] =	sst s10  }
0x32: {  	s10 =	sld [smem:$0x3FB7];
	_ =	sdelay $0x3  }
0x33: {  	p0 =	seq.s32 s10, $0x1;
	s10 =	sld [smem:$0x3FB9];
	_ =	sdelay $0x3  }
0x34: {  	[smem:$0x3FB9] =	sst s10  }
0x35: {  	s10 =	sld [smem:$0x3FB8];
	_ =	sdelay $0x3  }
0x36: {  	p1 =	seq.s32 s10, $0x1;
	s10 =	sld [smem:$0x3FB9];
	_ =	sdelay $0x3  }
0x37: {  	[smem:$0x3FB9] =	sst s10  }
0x38: {  	s10 =	sld [smem:$0x3FBA]  }
0x39: {  	_ = 	snop;
	(pc) =	sbr.ind lr, $3  }
0x3a: {  	_ = 	snop  }
0x3b: {  	_ = 	snop  }
0x3c: {  	p2 =	seq.s32 s10, $0x1;
	s10 =	sld [smem:$0x3FB9]  }
0x3d: {  	_ =	shalt  }
0x3e: {  	_ =	shalt  }
0x3f: {  	_ =	shalt  }
0x40: {  	_ =	shalt  }
0x41: {  	_ =	shalt  }
0x42: {  	_ =	shalt  }
0x43: {  	_ =	shalt  }
0x44: {  	_ =	shalt  }
0x45: {  	_ =	shalt  }
0x46: {  	_ =	shalt  }
0x47: {  	_ =	shalt  }
0x48: {  	_ =	shalt  }
0x49: {  	_ =	shalt  }
0x4a: {  	_ =	shalt  }
0x4b: {  	_ =	shalt  }
0x4c: {  	_ =	shalt  }
0x4d: {  	_ =	shalt  }
0x4e: {  	_ =	shalt  }
0x4f: {  	_ =	shalt  }
0x50: {  	_ =	shalt  }
0x51: {  	_ =	shalt  }
0x52: {  	_ =	shalt  }
0x53: {  	_ =	shalt  }
0x54: {  	_ =	shalt  }
0x55: {  	_ =	shalt  }
0x56: {  	_ =	shalt  }
0x57: {  	_ =	shalt  }
0x58: {  	_ =	shalt  }
0x59: {  	_ =	shalt  }
0x5a: {  	_ =	shalt  }
0x5b: {  	_ =	shalt  }
0x5c: {  	_ =	shalt  }
0x5d: {  	_ =	shalt  }
0x5e: {  	_ =	shalt  }
0x5f: {  	_ =	shalt  }
0x60: {  	_ =	shalt  }
0x61: {  	_ =	shalt  }
0x62: {  	_ =	shalt  }
0x63: {  	_ =	shalt  }
0x64: {  	_ =	shalt  }
0x65: {  	_ =	shalt  }
0x66: {  	_ =	shalt  }
0x67: {  	_ =	shalt  }
0x68: {  	_ =	shalt  }
0x69: {  	_ =	shalt  }
0x6a: {  	_ =	shalt  }
0x6b: {  	_ =	shalt  }
0x6c: {  	_ =	shalt  }
0x6d: {  	_ =	shalt  }
0x6e: {  	_ =	shalt  }
0x6f: {  	_ =	shalt  }
0x70: {  	_ =	shalt  }
0x71: {  	_ =	shalt  }
0x72: {  	_ =	shalt  }
0x73: {  	_ =	shalt  }
0x74: {  	_ =	shalt  }
0x75: {  	_ =	shalt  }
0x76: {  	_ =	shalt  }
0x77: {  	_ =	shalt  }
0x78: {  	_ =	shalt  }
0x79: {  	_ =	shalt  }
0x7a: {  	_ =	shalt  }
0x7b: {  	_ =	shalt  }
0x7c: {  	_ =	shalt  }
0x7d: {  	_ =	shalt  }
0x7e: {  	_ =	shalt  }
0x7f: {  	_ =	shalt  }
0x80: {  	_ =	shalt  }
0x81: {  	_ =	shalt  }
0x82: {  	_ =	shalt  }
0x83: {  	_ =	shalt  }
0x84: {  	_ =	shalt  }
0x85: {  	_ =	shalt  }
0x86: {  	_ =	shalt  }
0x87: {  	_ =	shalt  }
.Lfunc_end0:
.L_simem_size_0:
called_computation_lowered:
.L_overlay_start_0:
0x88: {  	s2 =	sld [smem:$0x3FD9]  }
0x89: {  	s3 =	sld [smem:$0x3FFE];
	_ =	sdelay $0x1  }
0x8a: {  	s1 =	srdreg.scid  }
0x8b: {  	s0 =	sand.u32 $0x1, s1  }
0x8c: {  	s15 =	sshll.u32 s0, $0xA;
	s2 =	sadd.s32 s3, s2  }
0x8d: {  	s2 =	sadd.s32 s2, s15  }
0x8e: {  	[smem:$0x3FC5] =	sst s2  }
0x8f: {  	_ = 	snop  }
0x90: {  	s2 =	sld [smem:$0x3FD0]  }
0x91: {  	s16 =	sld [smem:$0x3FC9]  }
0x92: {  	s4 =	sld [smem:$0x3FC8]  }
0x93: {  	s6 =	simm.s32 $0xA;
	s7 =	simm.s32 $0x10;
	s5 =	sld [smem:$0x3FC7]  }
0x94: {  	[smem:s7], [sflag:s6] =	dma.local [hbm:s2], $0x1  }
0x95: {  	_ =	swait.eq [sflag:s6], $0x1  }
0x96: {  	[sflag:s6] =	ssyncset.done $0x0  }
0x97: {  	s17 =	sld [smem:$0x10];
	[sflag:s6] =	ssyncadd.s32 $0xFFFFFFFF  }
0x98: {  	s18 =	sld [smem:$0x11];
	(tm) =	ssettm $0x1  }
0x99: {  	s19 =	sld [smem:$0x3FFB];
	_ =	sdelay $0x3  }
0x9a: {  	_ =	strace s19  }
0x9b: {  	s7 =	sld [smem:$0x3FFC];
	_ =	sdelay $0x3  }
0x9c: {  	_ =	strace s7  }
0x9d: {  	s7 =	sld [smem:$0x3FFD];
	_ =	sdelay $0x3  }
0x9e: {  	_ =	strace s7  }
0x9f: {  	_ =	strace $0x8FFFFFFF  }
0xa0: {  	s20 =	sld [smem:$0x3FDB];
	_ =	sdelay $0x1  }
0xa1: {  	s8 =	simm.s32 $_scs_section_size  }
0xa2: {  	s9 =	simm.s32 $_size__tile_overlayer_lowered;
	s10 =	simm.s32 $_tile_overlayer_lowered  }
0xa3: {  	s23 =	simm.s32 $0x1BFF;
	s22 =	sshll.u32 s10, $0x1;
	s7 =	sadd.s32 s8, s20  }
0xa4: {  	s11 =	simm.s32 $0x0;
	s21 =	sshll.u32 s9, $0x1;
	s9 =	sadd.s32 s22, s7  }
0xa5: {  	[timem:s11], [sflag:s23] =	dma.local [hbm:s9], s21  }
0xa6: {  	_ =	swait.ge [sflag:s23], s21  }
0xa7: {  	s8 =	ssub.s32 $0x0, s21;
	[sflag:s23] =	ssyncset.done $0x0  }
0xa8: {  	[sflag:s23] =	ssyncadd.s32 s8;
	_ =	sdelay $0x1  }
0xa9: {  	s24 =	simm.s32 $0x1B8B  }
0xaa: {  	_ =	swait.ge [sflag:s24], $0x1  }
0xab: {  	[sflag:s24] =	ssyncset.done $0x0  }
0xac: {  	s25 =	simm.s32 $0x1B8E;
	[sflag:s24] =	ssyncadd.s32 $0xFFFFFFFF  }
0xad: {  	s26 =	simm.s32 $execute0_lowered;
	[smem:$0x3FD2] =	sst s25  }
0xae: {  	s8 =	sshll.u32 s26, $0x1;
	_ =	strace $0x80000046;
	[dreg:$0x1] =	wrdreg $0xFFFFFFFF  }
0xaf: {  	s28 =	simm.s32 $_size_execute0_lowered;
	s7 =	sadd.s32 s7, s8;
	[dreg:$0x0] =	wrdreg $0x0  }
0xb0: {  	s8 =	sshll.u32 s28, $0x1;
	[dreg:$0x2] =	wrdreg s7  }
0xb1: {  	[dreg:$0x3] =	wrdreg s8  }
0xb2: {  	[dreg:$0x4] =	wrdreg $0xC0  }
0xb3: {  	_ =	task [dreg:s11], $0x5FFFF  }
0xb4: {  	[dreg:$0x1] =	wrdreg $0xFFFFFFFF  }
0xb5: {  	[dreg:$0x0] =	wrdreg $0x60  }
0xb6: {  	[dreg:$0x2] =	wrdreg s16  }
0xb7: {  	[dreg:$0x3] =	wrdreg s4  }
0xb8: {  	[dreg:$0x4] =	wrdreg s5  }
0xb9: {  	[dreg:$0x5] =	wrdreg s17  }
0xba: {  	[dreg:$0x6] =	wrdreg s18  }
0xbb: {  	[dreg:$0x7] =	wrdreg $0x9  }
0xbc: {  	_ =	task.clear_ibuf [dreg:s11], $0x8FFFF;
	_ =	strace $0x90000046  }
0xbd: {  	s29 =	simm.s32 $0x9;
	_ =	strace $0x80000048  }
0xbe: {  	_ =	swait.ge [sflag:s29], $0x1  }
0xbf: {  	[sflag:s29] =	ssyncadd.s32 $0xFFFFFFFF  }
0xc0: {  	_ =	strace $0x90000048  }
0xc1: {  	_ =	sfence  }
0xc2: {  	s30 =	sld [smem:$0x0];
	_ =	sdelay $0x2  }
0xc3: {  	s31 =	sshll.u32 s1, $0xD;
	s1 =	sshrl.u32 s1, $0x2  }
0xc4: {  	s3 =	sand.u32 $0x4000, s31;
	s1 =	sadd.s32 s1, s30  }
0xc5: {  	s0 =	sor.u32 s3, s0;
	s1 =	sshll.u32 s1, $0x11  }
0xc6: {  	s0 =	sor.u32 s1, s0  }
0xc7: {  	s0 =	sadd.s32 $0x8F2B, s0  }
0xc8: {  	[sflag:s0] =	ssyncadd.remote.s32 $0x1  }
0xc9: {  	_ =	sfence.sel $0xFFFF  }
0xca: {  	[dreg:$0x0] =	wrdreg $0xFFFFFFFF;
	(pc) =	sbr.abs _section_cstart, $3  }
0xcb: {  	[dreg:$0x1] =	wrdreg $0xFFFFFFFF  }
0xcc: {  	_ =	task.clear_ibuf [dreg:s11], $0x2FFFF;
	_ =	strace $0x9FFFFFFF  }
0xcd: {  	(tm) =	ssettm $0x7FFFFFFF  }
tec
execute0_lowered:
.L_overlay_start_1:
0x0: {  	(tag) =	ssettag $0x1  }
0x1: {  	s0 =	rddreg [dreg:$0x0]  }
0x2: {  	s2 =	rddreg [dreg:$0x1]  }
0x3: {  	s1 =	rddreg [dreg:$0x2]  }
0x4: {  	s4 =	rddreg [dreg:$0x3]  }
0x5: {  	s5 =	rddreg [dreg:$0x4];
	s6 =	srdreg.scid;
	s3 =	simm.s32 $0x0  }
0x6: {  	s11 =	stileid.u32;
	s13 =	simm.s32 $0x5D80;
	s15 =	simm.s32 $0x9D80  }
0x7: {  	s17 =	simm.s32 $0xDD80;
	s19 =	simm.s32 $0x11D80;
	s28 =	simm.s32 $0x8  }
0x8: {  	s29 =	simm.s32 $0x5;
	s30 =	simm.s32 $0x9;
	s31 =	simm.s32 $0x6  }
0x9: {  	s12 =	simm.s32 $0xB;
	s14 =	simm.s32 $0xC;
	s16 =	simm.s32 $0xD  }
0xa: {  	s18 =	simm.s32 $0x1;
	s20 =	simm.s32 $0x0;
	s6 =	sand.u32 $0x1, s6  }
0xb: {  	[smem:$0x7FF] =	sst s3;
	s7 =	sshll.u32 s11, $0x8;
	s23 =	sshll.u32 s11, $0xC  }
0xc: {  	s11 =	simm.s32 $0x80;
	s8 =	sshll.u32 s6, $0x7;
	_ =	strace $0x80000047  }
0xd: {  	s9 =	ssub.s32 $0x2, s6;
	s25 =	sshll.u32 s6, $0xB;
	s7 =	sor.u32 s8, s7  }
0xe: {  	s21 =	sshrl.u32 s9, $0x1;
	s10 =	sshrl.u32 s7, $0x3;
	s7 =	sshll.u32 s7, $0x4  }
0xf: {  	s8 =	ssub.s32 s9, s21;
	s0 =	sadd.s32 s0, s10;
	s22 =	sadd.s32 s7, s5  }
0x10: {  	s2 =	sadd.s32 s2, s10;
	s24 =	sadd.s32 s4, s7;
	[dreg:$0x6] =	wrdreg s0  }
0x11: {  	s26 =	smax.u32 s8, $0x1;
	s10 =	simm.s32 $0xE;
	[dreg:$0x7] =	wrdreg s2  }
.Ltmp0:
0x12: {  	s8 =	simm.s32 $0x1D80;
	[dreg:$0x9] =	wrdreg s24;
	(pc) =	sbr.rel .LBB2_1-.Ltmp0, $4  }
0x13: {  	s0 =	sadd.s32 $0x300000, s22;
	[dreg:$0xa] =	wrdreg s26;
	s22 =	simm.s32 $0x2  }
0x14: {  	s24 =	simm.s32 $0x3;
	s26 =	simm.s32 $0x4;
	s2 =	simm.s32 $0x7  }
0x15: {  	[dreg:$0x8] =	wrdreg s0;
	s0 =	sadd.s32 s23, s5;
	s23 =	simm.s32 $0x15D80  }
0x16: {  	v0 =	vimm.s32 $0x7D0;
	s9 =	sadd.s32 s25, s0;
	s25 =	simm.s32 $0x19D80;
	s0 =	simm.s32 $0xA  }
.LBB2_8:
0x17: {  	_ =	swait.ge [sflag:s14], $0x4000  }
0x18: {  	[sflag:s14] =	ssyncset.done $0x0  }
0x19: {  	[sflag:s14] =	ssyncadd.s32 $0xFFFFC000  }
0x1a: {  	_ =	swait.ge [sflag:s16], $0x4000  }
0x1b: {  	[sflag:s16] =	ssyncset.done $0x0  }
0x1c: {  	[sflag:s16] =	ssyncadd.s32 $0xFFFFC000  }
0x1d: {  	_ =	swait.ge [sflag:s22], $0x4000  }
0x1e: {  	[sflag:s22] =	ssyncset.done $0x0  }
0x1f: {  	s4 =	rddreg [dreg:$0x8];
	[sflag:s22] =	ssyncadd.s32 $0xFFFFC000  }
0x20: {  	[hbm4b:s4+s3] =	stream.linear.scatter [tilespmem:s13], [sflag:$0x8], $0x4000, $0x38;
	[tilespmem:$0x1DD80] =	vst v63  }
0x21: {  	_ =	swait.ge [sflag:s18], $0x4000  }
0x22: {  	[sflag:s18] =	ssyncset.done $0x0  }
0x23: {  	s8 =	simm.s32 $0x1D80;
	s7 =	rddreg [dreg:$0x9];
	[sflag:s18] =	ssyncadd.s32 $0xFFFFC000  }
0x24: {  	[hbm4b:s7+s3] =	stream.linear.scatter [tilespmem:s8], [sflag:$0xE], $0x4000, $0x38;
	[tilespmem:$0x1DD80] =	vst v63  }
0x25: {  	_ =	swait.ge [sflag:s10], $0x4000  }
0x26: {  	[sflag:s10] =	ssyncset.done $0x0  }
0x27: {  	[sflag:s10] =	ssyncadd.s32 $0xFFFFC000  }
0x28: {  	_ =	swait.ge [sflag:s28], $0x4000  }
0x29: {  	s20 =	sadd.s32 $0x1, s20;
	s21 =	rddreg [dreg:$0xa]  }
0x2a: {  	p0 =	sne.s32 s20, s21  }
.Ltmp1:
0x2b: {  	_ = 	snop;
	(pc) =	sbr.rel @!p0 .LBB2_9-.Ltmp1, $3  }
0x2c: {  	_ =	sdelay $0x1  }
0x2d: {  	[sflag:s28] =	ssyncset.done $0x0  }
0x2e: {  	[sflag:s28] =	ssyncadd.s32 $0xFFFFC000  }
.LBB2_1:
0x2f: {  	s4 =	rddreg [dreg:$0x6]  }
0x30: {  	[tilespmem:s3], [sflag:$0xE] =	stream.linear.gather [hbm4b:s4+s3], $0x80, $0x38;
	[tilespmem:$0x1DD80] =	vst v63  }
0x31: {  	_ =	swait.ge [sflag:s10], $0x80  }
0x32: {  	[sflag:s10] =	ssyncset.done $0x0  }
0x33: {  	s21 =	rddreg [dreg:$0x7];
	[sflag:s10] =	ssyncadd.s32 $0xFFFFFF80  }
0x34: {  	[tilespmem:s11], [sflag:$0xE] =	stream.linear.gather [hbm4b:s21+s3], $0x80, $0x38;
	[tilespmem:$0x1DD80] =	vst v63  }
0x35: {  	_ =	swait.ge [sflag:s10], $0x80  }
0x36: {  	[sflag:s10] =	ssyncset.done $0x0  }
0x37: {  	[sflag:s10] =	ssyncadd.s32 $0xFFFFFF80  }
0x38: {  	v1 =	vld [tilespmem:$0x80]  }
0x39: {  	v2 =	vld [tilespmem:$0x0];
	_ =	sdelay $0x3  }
0x3a: {  	vm0 =	vgt.s32 v1, s3  }
0x3b: {  	v1 =	vadd.s32 s3, v2;
	v2 =	vsel vm0, $0x0, v0  }
0x3c: {  	s4 =	simm.s32 $0x1C0;
	v1 =	vadd.s32 v2, v1  }
0x3d: {  	[tilespmem:s4+$0xFFFFFFC0] =	vst v1  }
0x3e: {  	v1 =	vld [tilespmem:$0x90]  }
0x3f: {  	v2 =	vld [tilespmem:$0x10];
	_ =	sdelay $0x3  }
0x40: {  	vm9 =	vgt.s32 v1, s3  }
0x41: {  	v1 =	vadd.s32 s3, v2;
	v2 =	vsel vm9, $0x0, v0  }
0x42: {  	v1 =	vadd.s32 v2, v1  }
0x43: {  	[tilespmem:s4+$0xFFFFFFD0] =	vst v1  }
0x44: {  	v1 =	vld [tilespmem:$0xA0]  }
0x45: {  	v2 =	vld [tilespmem:$0x20];
	_ =	sdelay $0x3  }
0x46: {  	vm10 =	vgt.s32 v1, s3  }
0x47: {  	v1 =	vadd.s32 s3, v2;
	v2 =	vsel vm10, $0x0, v0  }
0x48: {  	v1 =	vadd.s32 v2, v1  }
0x49: {  	[tilespmem:s4+$0xFFFFFFE0] =	vst v1  }
0x4a: {  	v1 =	vld [tilespmem:$0xB0]  }
0x4b: {  	v2 =	vld [tilespmem:$0x30];
	_ =	sdelay $0x3  }
0x4c: {  	vm11 =	vgt.s32 v1, s3  }
0x4d: {  	v1 =	vadd.s32 s3, v2;
	v2 =	vsel vm11, $0x0, v0  }
0x4e: {  	v1 =	vadd.s32 v2, v1  }
0x4f: {  	[tilespmem:s4+$0xFFFFFFF0] =	vst v1  }
0x50: {  	v1 =	vld [tilespmem:$0xC0]  }
0x51: {  	v2 =	vld [tilespmem:$0x40];
	_ =	sdelay $0x3  }
0x52: {  	vm12 =	vgt.s32 v1, s3  }
0x53: {  	v1 =	vadd.s32 s3, v2;
	v2 =	vsel vm12, $0x0, v0  }
0x54: {  	v1 =	vadd.s32 v2, v1  }
0x55: {  	[tilespmem:s4+$0x0] =	vst v1  }
0x56: {  	v1 =	vld [tilespmem:$0xD0]  }
0x57: {  	v2 =	vld [tilespmem:$0x50];
	_ =	sdelay $0x3  }
0x58: {  	vm13 =	vgt.s32 v1, s3  }
0x59: {  	v1 =	vadd.s32 s3, v2;
	v2 =	vsel vm13, $0x0, v0  }
0x5a: {  	v1 =	vadd.s32 v2, v1  }
0x5b: {  	[tilespmem:s4+$0x10] =	vst v1  }
0x5c: {  	v1 =	vld [tilespmem:$0xE0]  }
0x5d: {  	v2 =	vld [tilespmem:$0x60];
	_ =	sdelay $0x3  }
0x5e: {  	vm14 =	vgt.s32 v1, s3  }
0x5f: {  	v1 =	vadd.s32 s3, v2;
	v2 =	vsel vm14, $0x0, v0  }
0x60: {  	v1 =	vadd.s32 v2, v1  }
0x61: {  	[tilespmem:s4+$0x20] =	vst v1  }
0x62: {  	v1 =	vld [tilespmem:$0xF0]  }
0x63: {  	v2 =	vld [tilespmem:$0x70];
	_ =	sdelay $0x3  }
0x64: {  	vm15 =	vgt.s32 v1, s3  }
0x65: {  	v1 =	vadd.s32 s3, v2;
	v2 =	vsel vm15, $0x0, v0  }
0x66: {  	s5 =	simm.s32 $0x1;
	s6 =	simm.s32 $0x0;
	v1 =	vadd.s32 v2, v1  }
.LBB2_2:
0x67: {  	p0 =	sne.s32 s5, $0x3;
	[tilespmem:s4+$0x30] =	vst v1;
	s6 =	sadd.s32 $0x7D0, s6;
	s4 =	sadd.s32 $0x80, s4  }
0x68: {  	s7 =	smov.u32 s5;
	s5 =	sadd.s32 $0x1, s5;
	v1 =	vld [tilespmem:$0x80]  }
0x69: {  	v2 =	vld [tilespmem:$0x0];
	_ =	sdelay $0x3  }
0x6a: {  	vm0 =	vgt.s32 v1, s7  }
0x6b: {  	v1 =	vadd.s32 s6, v2;
	v2 =	vsel vm0, $0x0, v0  }
0x6c: {  	v1 =	vadd.s32 v2, v1  }
0x6d: {  	[tilespmem:s4+$0xFFFFFFC0] =	vst v1  }
0x6e: {  	v1 =	vld [tilespmem:$0x90]  }
0x6f: {  	v2 =	vld [tilespmem:$0x10];
	_ =	sdelay $0x3  }
0x70: {  	vm0 =	vgt.s32 v1, s7  }
0x71: {  	v1 =	vadd.s32 s6, v2;
	v2 =	vsel vm0, $0x0, v0  }
0x72: {  	v1 =	vadd.s32 v2, v1  }
0x73: {  	[tilespmem:s4+$0xFFFFFFD0] =	vst v1  }
0x74: {  	v1 =	vld [tilespmem:$0xA0]  }
0x75: {  	v2 =	vld [tilespmem:$0x20];
	_ =	sdelay $0x3  }
0x76: {  	vm0 =	vgt.s32 v1, s7  }
0x77: {  	v1 =	vadd.s32 s6, v2;
	v2 =	vsel vm0, $0x0, v0  }
0x78: {  	v1 =	vadd.s32 v2, v1  }
0x79: {  	[tilespmem:s4+$0xFFFFFFE0] =	vst v1  }
0x7a: {  	v1 =	vld [tilespmem:$0xB0]  }
0x7b: {  	v2 =	vld [tilespmem:$0x30];
	_ =	sdelay $0x3  }
0x7c: {  	vm0 =	vgt.s32 v1, s7  }
0x7d: {  	v1 =	vadd.s32 s6, v2;
	v2 =	vsel vm0, $0x0, v0  }
0x7e: {  	v1 =	vadd.s32 v2, v1  }
0x7f: {  	[tilespmem:s4+$0xFFFFFFF0] =	vst v1  }
0x80: {  	v1 =	vld [tilespmem:$0xC0]  }
0x81: {  	v2 =	vld [tilespmem:$0x40];
	_ =	sdelay $0x3  }
0x82: {  	vm0 =	vgt.s32 v1, s7  }
0x83: {  	v1 =	vadd.s32 s6, v2;
	v2 =	vsel vm0, $0x0, v0  }
0x84: {  	v1 =	vadd.s32 v2, v1  }
0x85: {  	[tilespmem:s4+$0x0] =	vst v1  }
0x86: {  	v1 =	vld [tilespmem:$0xD0]  }
0x87: {  	v2 =	vld [tilespmem:$0x50];
	_ =	sdelay $0x3  }
0x88: {  	vm0 =	vgt.s32 v1, s7  }
0x89: {  	v1 =	vadd.s32 s6, v2;
	v2 =	vsel vm0, $0x0, v0  }
0x8a: {  	v1 =	vadd.s32 v2, v1  }
0x8b: {  	[tilespmem:s4+$0x10] =	vst v1  }
0x8c: {  	v1 =	vld [tilespmem:$0xE0]  }
0x8d: {  	v2 =	vld [tilespmem:$0x60];
	_ =	sdelay $0x3  }
0x8e: {  	vm0 =	vgt.s32 v1, s7  }
0x8f: {  	v1 =	vadd.s32 s6, v2;
	v2 =	vsel vm0, $0x0, v0  }
0x90: {  	v1 =	vadd.s32 v2, v1  }
0x91: {  	[tilespmem:s4+$0x20] =	vst v1  }
0x92: {  	v1 =	vld [tilespmem:$0xF0]  }
0x93: {  	v2 =	vld [tilespmem:$0x70];
	_ =	sdelay $0x1  }
.Ltmp2:
0x94: {  	(pc) =	sbr.rel @p0 .LBB2_2-.Ltmp2, $4  }
0x95: {  	_ = 	snop  }
0x96: {  	vm0 =	vgt.s32 v1, s7  }
0x97: {  	v1 =	vadd.s32 s6, v2;
	v2 =	vsel vm0, $0x0, v0  }
0x98: {  	v1 =	vadd.s32 v2, v1  }
0x99: {  	[tilespmem:s4+$0x30] =	vst v1;
	s21 =	simm.s32 $0x180  }
0x9a: {  	[tilespmem:s13], [sflag:$0x2] =	stream.indirect.gather [hbm4b:s1+s11], $0x80, s21, s11, $0xb8;
	[tilespmem:$0x1DD80] =	vst v63  }
0x9b: {  	s5 =	simm.s32 $0x200  }
0x9c: {  	[tilespmem:s15], [sflag:$0x3] =	stream.indirect.gather [hbm4b:s1+s11], $0x80, s5, s11, $0xb8;
	[tilespmem:$0x1DD80] =	vst v63  }
0x9d: {  	s6 =	simm.s32 $0x280  }
0x9e: {  	[tilespmem:s17], [sflag:$0x4] =	stream.indirect.gather [hbm4b:s1+s11], $0x80, s6, s11, $0xb8;
	[tilespmem:$0x1DD80] =	vst v63  }
0x9f: {  	s7 =	simm.s32 $0x300  }
0xa0: {  	[tilespmem:s19], [sflag:$0x5] =	stream.indirect.gather [hbm4b:s1+s11], $0x80, s7, s11, $0xb8;
	[tilespmem:$0x1DD80] =	vst v63  }
0xa1: {  	v1 =	vld [tilespmem:$0x0]  }
0xa2: {  	v2 =	vld [tilespmem:$0x80]  }
0xa3: {  	v3 =	vld [tilespmem:$0x10]  }
0xa4: {  	v4 =	vld [tilespmem:$0x90]  }
0xa5: {  	v5 =	vld [tilespmem:$0x20]  }
0xa6: {  	v6 =	vld [tilespmem:$0xA0]  }
0xa7: {  	v7 =	vld [tilespmem:$0x30]  }
0xa8: {  	v8 =	vld [tilespmem:$0xB0]  }
0xa9: {  	v9 =	vld [tilespmem:$0x40]  }
0xaa: {  	v10 =	vld [tilespmem:$0xC0]  }
0xab: {  	v11 =	vld [tilespmem:$0x50]  }
0xac: {  	v12 =	vld [tilespmem:$0xD0];
	v2 =	vmul.u32 $0x7D0, v2  }
0xad: {  	v13 =	vld [tilespmem:$0xE0];
	v4 =	vmul.u32 $0x7D0, v4  }
0xae: {  	v61 =	vld [tilespmem:$0xF0];
	v1 =	vadd.s32 v1, v2;
	v2 =	vmul.u32 $0x7D0, v6  }
0xaf: {  	v62 =	vld [tilespmem:$0x60];
	[tilespmem:$0x100] =	vst v1;
	v1 =	vadd.s32 v3, v4;
	v3 =	vmul.u32 $0x7D0, v8  }
0xb0: {  	v63 =	vld [tilespmem:$0x70];
	[tilespmem:$0x110] =	vst v1;
	v1 =	vadd.s32 v5, v2;
	v2 =	vmul.u32 $0x7D0, v10  }
0xb1: {  	[tilespmem:$0x120] =	vst v1;
	v1 =	vadd.s32 v7, v3;
	v3 =	vmul.u32 $0x7D0, v12  }
0xb2: {  	[tilespmem:$0x130] =	vst v1;
	v1 =	vadd.s32 v9, v2;
	v2 =	vmul.u32 $0x7D0, v13  }
0xb3: {  	[tilespmem:$0x140] =	vst v1;
	v1 =	vadd.s32 v11, v3;
	v3 =	vmul.u32 $0x7D0, v61  }
0xb4: {  	[tilespmem:$0x150] =	vst v1;
	v1 =	vadd.s32 v62, v2  }
0xb5: {  	[tilespmem:$0x160] =	vst v1;
	v1 =	vadd.s32 v63, v3  }
0xb6: {  	s21 =	simm.s32 $0x100;
	[tilespmem:$0x170] =	vst v1  }
0xb7: {  	[tilespmem:s8], [sflag:$0x1] =	stream.indirect.gather [hbm4b:s1+s11], $0x80, s21, s11, $0xb8;
	[tilespmem:$0x1DD80] =	vst v63  }
0xb8: {  	v1 =	vld [tilespmem:$0x80]  }
0xb9: {  	v2 =	vld [tilespmem:$0x0];
	_ =	sdelay $0x2  }
0xba: {  	s4 =	simm.s32 $0x4  }
0xbb: {  	s6 =	simm.s32 $0x1F40;
	vm0 =	vgt.s32 v1, s4  }
0xbc: {  	v1 =	vadd.s32 s6, v2;
	v2 =	vsel vm0, $0x0, v0  }
0xbd: {  	s5 =	simm.s32 $0x3F0;
	v1 =	vadd.s32 v2, v1  }
0xbe: {  	[tilespmem:s5+$0xFFFFFF90] =	vst v1  }
0xbf: {  	v1 =	vld [tilespmem:$0x90]  }
0xc0: {  	v2 =	vld [tilespmem:$0x10];
	_ =	sdelay $0x3  }
0xc1: {  	vm9 =	vgt.s32 v1, s4  }
0xc2: {  	v1 =	vadd.s32 s6, v2;
	v2 =	vsel vm9, $0x0, v0  }
0xc3: {  	v1 =	vadd.s32 v2, v1  }
0xc4: {  	[tilespmem:s5+$0xFFFFFFA0] =	vst v1  }
0xc5: {  	v1 =	vld [tilespmem:$0xA0]  }
0xc6: {  	v2 =	vld [tilespmem:$0x20];
	_ =	sdelay $0x3  }
0xc7: {  	vm10 =	vgt.s32 v1, s4  }
0xc8: {  	v1 =	vadd.s32 s6, v2;
	v2 =	vsel vm10, $0x0, v0  }
0xc9: {  	v1 =	vadd.s32 v2, v1  }
0xca: {  	[tilespmem:s5+$0xFFFFFFB0] =	vst v1  }
0xcb: {  	v1 =	vld [tilespmem:$0xB0]  }
0xcc: {  	v2 =	vld [tilespmem:$0x30];
	_ =	sdelay $0x3  }
0xcd: {  	vm11 =	vgt.s32 v1, s4  }
0xce: {  	v1 =	vadd.s32 s6, v2;
	v2 =	vsel vm11, $0x0, v0  }
0xcf: {  	v1 =	vadd.s32 v2, v1  }
0xd0: {  	[tilespmem:s5+$0xFFFFFFC0] =	vst v1  }
0xd1: {  	v1 =	vld [tilespmem:$0xC0]  }
0xd2: {  	v2 =	vld [tilespmem:$0x40];
	_ =	sdelay $0x3  }
0xd3: {  	vm12 =	vgt.s32 v1, s4  }
0xd4: {  	v1 =	vadd.s32 s6, v2;
	v2 =	vsel vm12, $0x0, v0  }
0xd5: {  	v1 =	vadd.s32 v2, v1  }
0xd6: {  	[tilespmem:s5+$0xFFFFFFD0] =	vst v1  }
0xd7: {  	v1 =	vld [tilespmem:$0xD0]  }
0xd8: {  	v2 =	vld [tilespmem:$0x50];
	_ =	sdelay $0x3  }
0xd9: {  	vm13 =	vgt.s32 v1, s4  }
0xda: {  	v1 =	vadd.s32 s6, v2;
	v2 =	vsel vm13, $0x0, v0  }
0xdb: {  	v1 =	vadd.s32 v2, v1  }
0xdc: {  	[tilespmem:s5+$0xFFFFFFE0] =	vst v1  }
0xdd: {  	v1 =	vld [tilespmem:$0xE0]  }
0xde: {  	v2 =	vld [tilespmem:$0x60];
	_ =	sdelay $0x3  }
0xdf: {  	vm14 =	vgt.s32 v1, s4  }
0xe0: {  	v1 =	vadd.s32 s6, v2;
	v2 =	vsel vm14, $0x0, v0  }
0xe1: {  	v1 =	vadd.s32 v2, v1  }
0xe2: {  	[tilespmem:s5+$0xFFFFFFF0] =	vst v1  }
0xe3: {  	v1 =	vld [tilespmem:$0xF0]  }
0xe4: {  	v2 =	vld [tilespmem:$0x70];
	_ =	sdelay $0x3  }
0xe5: {  	vm15 =	vgt.s32 v1, s4  }
0xe6: {  	v1 =	vadd.s32 s6, v2;
	v2 =	vsel vm15, $0x0, v0  }
0xe7: {  	s6 =	simm.s32 $0x2710;
	v1 =	vadd.s32 v2, v1  }
.LBB2_4:
0xe8: {  	p0 =	sne.s32 s6, $0x17700;
	[tilespmem:s5+$0x0] =	vst v1;
	s4 =	sadd.s32 $0x1, s4;
	s5 =	sadd.s32 $0x80, s5  }
0xe9: {  	s7 =	smov.u32 s6;
	s6 =	sadd.s32 $0x7D0, s6;
	v1 =	vld [tilespmem:$0x80]  }
0xea: {  	v2 =	vld [tilespmem:$0x0];
	_ =	sdelay $0x3  }
0xeb: {  	vm0 =	vgt.s32 v1, s4  }
0xec: {  	v1 =	vadd.s32 s7, v2;
	v2 =	vsel vm0, $0x0, v0  }
0xed: {  	v1 =	vadd.s32 v2, v1  }
0xee: {  	[tilespmem:s5+$0xFFFFFF90] =	vst v1  }
0xef: {  	v1 =	vld [tilespmem:$0x90]  }
0xf0: {  	v2 =	vld [tilespmem:$0x10];
	_ =	sdelay $0x3  }
0xf1: {  	vm0 =	vgt.s32 v1, s4  }
0xf2: {  	v1 =	vadd.s32 s7, v2;
	v2 =	vsel vm0, $0x0, v0  }
0xf3: {  	v1 =	vadd.s32 v2, v1  }
0xf4: {  	[tilespmem:s5+$0xFFFFFFA0] =	vst v1  }
0xf5: {  	v1 =	vld [tilespmem:$0xA0]  }
0xf6: {  	v2 =	vld [tilespmem:$0x20];
	_ =	sdelay $0x3  }
0xf7: {  	vm0 =	vgt.s32 v1, s4  }
0xf8: {  	v1 =	vadd.s32 s7, v2;
	v2 =	vsel vm0, $0x0, v0  }
0xf9: {  	v1 =	vadd.s32 v2, v1  }
0xfa: {  	[tilespmem:s5+$0xFFFFFFB0] =	vst v1  }
0xfb: {  	v1 =	vld [tilespmem:$0xB0]  }
0xfc: {  	v2 =	vld [tilespmem:$0x30];
	_ =	sdelay $0x3  }
0xfd: {  	vm0 =	vgt.s32 v1, s4  }
0xfe: {  	v1 =	vadd.s32 s7, v2;
	v2 =	vsel vm0, $0x0, v0  }
0xff: {  	v1 =	vadd.s32 v2, v1  }
0x100: {  	[tilespmem:s5+$0xFFFFFFC0] =	vst v1  }
0x101: {  	v1 =	vld [tilespmem:$0xC0]  }
0x102: {  	v2 =	vld [tilespmem:$0x40];
	_ =	sdelay $0x3  }
0x103: {  	vm0 =	vgt.s32 v1, s4  }
0x104: {  	v1 =	vadd.s32 s7, v2;
	v2 =	vsel vm0, $0x0, v0  }
0x105: {  	v1 =	vadd.s32 v2, v1  }
0x106: {  	[tilespmem:s5+$0xFFFFFFD0] =	vst v1  }
0x107: {  	v1 =	vld [tilespmem:$0xD0]  }
0x108: {  	v2 =	vld [tilespmem:$0x50];
	_ =	sdelay $0x3  }
0x109: {  	vm0 =	vgt.s32 v1, s4  }
0x10a: {  	v1 =	vadd.s32 s7, v2;
	v2 =	vsel vm0, $0x0, v0  }
0x10b: {  	v1 =	vadd.s32 v2, v1  }
0x10c: {  	[tilespmem:s5+$0xFFFFFFE0] =	vst v1  }
0x10d: {  	v1 =	vld [tilespmem:$0xE0]  }
0x10e: {  	v2 =	vld [tilespmem:$0x60];
	_ =	sdelay $0x3  }
0x10f: {  	vm0 =	vgt.s32 v1, s4  }
0x110: {  	v1 =	vadd.s32 s7, v2;
	v2 =	vsel vm0, $0x0, v0  }
0x111: {  	v1 =	vadd.s32 v2, v1  }
0x112: {  	[tilespmem:s5+$0xFFFFFFF0] =	vst v1  }
0x113: {  	v1 =	vld [tilespmem:$0xF0]  }
0x114: {  	v2 =	vld [tilespmem:$0x70];
	_ =	sdelay $0x1  }
.Ltmp3:
0x115: {  	(pc) =	sbr.rel @p0 .LBB2_4-.Ltmp3, $4  }
0x116: {  	_ = 	snop  }
0x117: {  	vm0 =	vgt.s32 v1, s4  }
0x118: {  	v1 =	vadd.s32 s7, v2;
	v2 =	vsel vm0, $0x0, v0  }
0x119: {  	v1 =	vadd.s32 v2, v1  }
0x11a: {  	[tilespmem:s5+$0x0] =	vst v1;
	s4 =	simm.s32 $0x0;
	s5 =	simm.s32 $0x400  }
.LBB2_6:
0x11b: {  	_ =	swait.ge [sflag:s22], $0x4000  }
0x11c: {  	p0 =	seq.s32 s4, $0x0;
	[sflag:s22] =	ssyncset.done $0x0  }
0x11d: {  	s6 =	sadd.s32 s4, s9;
	s7 =	simm.s32 @!p0 $0xC;
	[sflag:s22] =	ssyncadd.s32 $0xFFFFC000  }
0x11e: {  	[hbm4b:s6+s3] =	stream.linear.scatter [tilespmem:s13], [sflag:$0x8], $0x4000, $0x38;
	[tilespmem:$0x1DD80] =	vst v63  }
0x11f: {  	_ =	swait.ge @!p0 [sflag:s7], $0x4000  }
0x120: {  	[sflag:s7] =	ssyncset.done @!p0 $0x0  }
0x121: {  	s8 =	sadd.s32 $0xFFFFFF80, s5;
	[sflag:s7] =	ssyncadd.s32 @!p0 $0xFFFFC000  }
0x122: {  	[tilespmem:s23], [sflag:$0x6] =	stream.indirect.gather [hbm4b:s1+s11], $0x80, s8, s11, $0xb8;
	[tilespmem:$0x1DD80] =	vst v63  }
0x123: {  	_ =	swait.ge [sflag:s24], $0x4000  }
0x124: {  	[sflag:s24] =	ssyncset.done $0x0  }
0x125: {  	s21 =	sadd.s32 $0x10000, s6;
	s7 =	simm.s32 @!p0 $0xD;
	[sflag:s24] =	ssyncadd.s32 $0xFFFFC000  }
0x126: {  	[hbm4b:s21+s3] =	stream.linear.scatter [tilespmem:s15], [sflag:$0x9], $0x4000, $0x38;
	[tilespmem:$0x1DD80] =	vst v63  }
0x127: {  	_ =	swait.ge @!p0 [sflag:s7], $0x4000  }
0x128: {  	[sflag:s7] =	ssyncset.done @!p0 $0x0  }
0x129: {  	[sflag:s7] =	ssyncadd.s32 @!p0 $0xFFFFC000  }
0x12a: {  	[tilespmem:s25], [sflag:$0x7] =	stream.indirect.gather [hbm4b:s1+s11], $0x80, s5, s11, $0xb8;
	[tilespmem:$0x1DD80] =	vst v63  }
0x12b: {  	_ =	swait.ge [sflag:s26], $0x4000  }
0x12c: {  	[sflag:s26] =	ssyncset.done $0x0  }
0x12d: {  	s8 =	sadd.s32 $0x20000, s6;
	[sflag:s26] =	ssyncadd.s32 $0xFFFFC000  }
0x12e: {  	[hbm4b:s8+s3] =	stream.linear.scatter [tilespmem:s17], [sflag:$0xA], $0x4000, $0x38;
	[tilespmem:$0x1DD80] =	vst v63  }
0x12f: {  	_ =	swait.ge [sflag:s28], $0x4000  }
0x130: {  	[sflag:s28] =	ssyncset.done $0x0  }
0x131: {  	s21 =	sadd.s32 $0x80, s5;
	[sflag:s28] =	ssyncadd.s32 $0xFFFFC000  }
0x132: {  	[tilespmem:s13], [sflag:$0x2] =	stream.indirect.gather [hbm4b:s1+s11], $0x80, s21, s11, $0xb8;
	[tilespmem:$0x1DD80] =	vst v63  }
0x133: {  	_ =	swait.ge [sflag:s29], $0x4000  }
0x134: {  	[sflag:s29] =	ssyncset.done $0x0  }
0x135: {  	s8 =	sadd.s32 $0x30000, s6;
	[sflag:s29] =	ssyncadd.s32 $0xFFFFC000  }
0x136: {  	[hbm4b:s8+s3] =	stream.linear.scatter [tilespmem:s19], [sflag:$0xB], $0x4000, $0x38;
	[tilespmem:$0x1DD80] =	vst v63  }
0x137: {  	p0 =	seq.s32 s4, $0x2A0000;
	_ =	swait.ge [sflag:s30], $0x4000  }
0x138: {  	s7 =	sadd.s32 @!p0 $0x100, s5;
	[sflag:s30] =	ssyncset.done $0x0  }
0x139: {  	s21 =	simm.s32 @!p0 $0x9D80;
	s8 =	simm.s32 @!p0 $0x80;
	[sflag:s30] =	ssyncadd.s32 $0xFFFFC000  }
0x13a: {  	[tilespmem:s21], [sflag:$0x3] =	stream.indirect.gather @!p0 [hbm4b:s1+s8], $0x80, s7, s8, $0xb8;
	[tilespmem:$0x1DD80] =	vst v63  }
0x13b: {  	_ =	swait.ge [sflag:s31], $0x4000  }
0x13c: {  	[sflag:s31] =	ssyncset.done $0x0  }
0x13d: {  	s21 =	sadd.s32 $0x40000, s6;
	[sflag:s31] =	ssyncadd.s32 $0xFFFFC000  }
0x13e: {  	[hbm4b:s21+s3] =	stream.linear.scatter [tilespmem:s23], [sflag:$0xC], $0x4000, $0x38;
	[tilespmem:$0x1DD80] =	vst v63  }
0x13f: {  	_ =	swait.ge [sflag:s0], $0x4000  }
0x140: {  	[sflag:s0] =	ssyncset.done $0x0  }
0x141: {  	s7 =	sadd.s32 @!p0 $0x180, s5;
	s21 =	simm.s32 @!p0 $0xDD80;
	[sflag:s0] =	ssyncadd.s32 $0xFFFFC000  }
0x142: {  	[tilespmem:s21], [sflag:$0x4] =	stream.indirect.gather @!p0 [hbm4b:s1+s8], $0x80, s7, s8, $0xb8;
	[tilespmem:$0x1DD80] =	vst v63  }
0x143: {  	_ =	swait.ge [sflag:s2], $0x4000  }
0x144: {  	[sflag:s2] =	ssyncset.done $0x0  }
.Ltmp4:
0x145: {  	s6 =	sadd.s32 $0x50000, s6;
	[sflag:s2] =	ssyncadd.s32 $0xFFFFC000;
	(pc) =	sbr.rel @p0 .LBB2_8-.Ltmp4, $4  }
0x146: {  	[hbm4b:s6+s3] =	stream.linear.scatter [tilespmem:s25], [sflag:$0xD], $0x4000, $0x38;
	[tilespmem:$0x1DD80] =	vst v63  }
0x147: {  	_ =	swait.ge [sflag:s12], $0x4000  }
0x148: {  	[sflag:s12] =	ssyncset.done $0x0  }
0x149: {  	[sflag:s12] =	ssyncadd.s32 $0xFFFFC000  }
.Ltmp5:
0x14a: {  	(pc) =	sbr.rel .LBB2_6-.Ltmp5, $3  }
0x14b: {  	_ =	sdelay $0x1  }
0x14c: {  	s6 =	sadd.s32 $0x200, s5;
	s4 =	sadd.s32 $0x60000, s4;
	s5 =	sadd.s32 $0x300, s5  }
0x14d: {  	[tilespmem:s19], [sflag:$0x5] =	stream.indirect.gather [hbm4b:s1+s11], $0x80, s6, s11, $0xb8;
	[tilespmem:$0x1DD80] =	vst v63  }
.LBB2_9:
0x14e: {  	_ =	sfence.sel $0x180000  }
0x14f: {  	[bflag:$0x0] =	sbarrier.arrive $0xFFFF  }
0x150: {  	_ =	strace $0x90000047  }
0x151: {  	s0 =	stileid.u32;
	[bflag:$0x2] =	sbarrier.arrive $0xFFFF  }
0x152: {  	p0 =	sne.s32 s0, $0x0;
	s0 =	rddreg [dreg:$0x5]  }
0x153: {  	s0 =	sadd.s32 @!p0 $0x100000, s0  }
0x154: {  	[sflag:s0] =	ssyncadd.tile.s32 @!p0 $0x1;
	_ =	shalt  }
.Lfunc_end2:
_tile_overlayer_lowered:
.L_overlay_start_2:
0x155: {  	(tag) =	ssettag $0x2  }
0x156: {  	s0 =	rddreg [dreg:$0x0];
	s2 =	stileid.u32  }
0x157: {  	s1 =	rddreg [dreg:$0x1];
	p0 =	sne.s32 s2, $0x0  }
0x158: {  	s3 =	rddreg [dreg:$0x2];
	[bflag:$0x3] =	sbarrier.arrive $0xFFFF;
	s2 =	simm.s32 @!p0 $0x1C0E  }
0x159: {  	[timem:s3], [sflag:s2] =	dma.local @!p0 [hbm:s0], s1  }
0x15a: {  	s0 =	simm.s32 @!p0 $0xE  }
0x15b: {  	_ =	swait.ge @!p0 [sflag:s0], s1  }
0x15c: {  	s1 =	ssub.s32 @!p0 $0x0, s1;
	[sflag:s0] =	ssyncset.done @!p0 $0x0  }
0x15d: {  	[sflag:s0] =	ssyncadd.s32 @!p0 s1  }
0x15e: {  	[bflag:$0x3] =	sbarrier.arrive $0xFFFF  }
0x15f: {  	_ =	shalt  }

</sc_bundles>
